<compile_context>
chip_gen: v7x
topology: tpu7x:2x2x1
jax: 0.10.2.dev20260603
libtpu: 0.0.44.dev20260713+nightly
codegen_flags: <defaults>
</compile_context>

<pallas_src>
import functools

import jax
import jax.numpy as jnp
from jax import lax
from jax.experimental import pallas as pl
from jax.experimental.pallas import tpu as pltpu
from jax.experimental.pallas import tpu_sc as plsc

N = 10000
NPAD = 10112
E = 320000
D_IN = 128
D_HID = 128
D_OUT = 64

NCORES = 2
NSUB = 16
CHUNK = 128
CHUNKS_PER_TILE = 79
E_PAD = NCORES * NSUB * CHUNKS_PER_TILE * CHUNK
TOTAL_CHUNKS = E_PAD // CHUNK
ROWS_PER_TILE = NPAD // NSUB

_MESH = plsc.VectorSubcoreMesh(core_axis_name="c", subcore_axis_name="s")
_SC_PARAMS = pltpu.CompilerParams(use_tc_tiling_on_sc=False)


def _sc_degree_kernel():

    @functools.partial(
        pl.kernel,
        mesh=_MESH,
        out_type=jax.ShapeDtypeStruct((NCORES, NPAD, 16), jnp.float32),
        scratch_types=[
            pltpu.VMEM_SHARED((NPAD, 16), jnp.float32),
            pltpu.VMEM((CHUNKS_PER_TILE, CHUNK), jnp.int32),
            pltpu.VMEM((CHUNK, 16), jnp.float32),
            pltpu.SemaphoreType.DMA,
            pltpu.SemaphoreType.DMA,
        ],
        compiler_params=_SC_PARAMS,
    )
    def deg_kernel(dst_hbm, ones_hbm, zeros_hbm, out_hbm, acc, dst_v, ones_v,
                   semsc0, semsc1):
        c = lax.axis_index("c")
        s = lax.axis_index("s")
        wid = c * NSUB + s
        sl = pl.ds(s * ROWS_PER_TILE, ROWS_PER_TILE)
        dsl = pl.ds(wid * CHUNKS_PER_TILE, CHUNKS_PER_TILE)
        pltpu.async_copy(zeros_hbm, acc.at[sl], semsc0)
        pltpu.async_copy(ones_hbm, ones_v, semsc1)
        pltpu.async_copy(dst_hbm.at[dsl], dst_v, semsc0)
        pltpu.make_async_copy(zeros_hbm, acc.at[sl], semsc0).wait()
        pltpu.make_async_copy(ones_hbm, ones_v, semsc1).wait()
        pltpu.make_async_copy(dst_hbm.at[dsl], dst_v, semsc0).wait()
        plsc.subcore_barrier()

        def start_scat(i, sem):
            pltpu.async_copy(ones_v, acc.at[dst_v.at[i]], sem, add=True)

        def wait_scat(i, sem):
            pltpu.make_async_copy(ones_v, acc.at[dst_v.at[i]], sem).wait()

        start_scat(0, semsc0)
        start_scat(1, semsc1)

        @pl.loop(2, CHUNKS_PER_TILE - 1, step=2)
        def _(i):
            wait_scat(i - 2, semsc0)
            start_scat(i, semsc0)
            wait_scat(i - 1, semsc1)
            start_scat(i + 1, semsc1)

        wait_scat(CHUNKS_PER_TILE - 3, semsc0)
        start_scat(CHUNKS_PER_TILE - 1, semsc0)
        wait_scat(CHUNKS_PER_TILE - 2, semsc1)
        wait_scat(CHUNKS_PER_TILE - 1, semsc0)
        plsc.subcore_barrier()
        sl = pl.ds(s * ROWS_PER_TILE, ROWS_PER_TILE)
        pltpu.sync_copy(acc.at[sl], out_hbm.at[c].at[sl])

    return deg_kernel


def _sc_edge_kernel(d):
    cpt = TOTAL_CHUNKS // NSUB

    @functools.partial(
        pl.kernel,
        mesh=_MESH,
        out_type=jax.ShapeDtypeStruct((NCORES, NPAD, d), jnp.float32),
        scratch_types=[
            pltpu.VMEM_SHARED((NPAD, d), jnp.float32),
            pltpu.VMEM_SHARED((NPAD, d), jnp.float32),
            pltpu.VMEM((cpt, CHUNK), jnp.int32),
            pltpu.VMEM((CHUNK,), jnp.int32),
            pltpu.VMEM((CHUNK,), jnp.int32),
            pltpu.VMEM((CHUNK, d), jnp.float32),
            pltpu.VMEM((CHUNK, d), jnp.float32),
            pltpu.SemaphoreType.DMA,
            pltpu.SemaphoreType.DMA,
            pltpu.SemaphoreType.DMA,
            pltpu.SemaphoreType.DMA,
        ],
        compiler_params=_SC_PARAMS,
    )
    def edge_kernel(g_hbm, src_hbm, dst_hbm, zeros_hbm, out_hbm,
                    acc, g_s, src_v, dst0, dst1, rows0, rows1,
                    sem0, sem1, semd0, semd1):
        c = lax.axis_index("c")
        s = lax.axis_index("s")
        sl = pl.ds(s * ROWS_PER_TILE, ROWS_PER_TILE)
        row0 = s * cpt
        pltpu.async_copy(zeros_hbm, acc.at[sl], sem0)
        pltpu.async_copy(g_hbm.at[c].at[sl], g_s.at[sl], sem1)
        pltpu.async_copy(src_hbm.at[pl.ds(row0, cpt)], src_v, semd0)
        pltpu.make_async_copy(zeros_hbm, acc.at[sl], sem0).wait()
        pltpu.make_async_copy(g_hbm.at[c].at[sl], g_s.at[sl], sem1).wait()
        pltpu.make_async_copy(src_hbm.at[pl.ds(row0, cpt)], src_v, semd0).wait()
        plsc.subcore_barrier()

        def start_gather(i, rows, sem):
            pltpu.async_copy(g_s.at[src_v.at[i]], rows, sem)

        def wait_gather(i, rows, sem):
            pltpu.make_async_copy(g_s.at[src_v.at[i]], rows, sem).wait()

        def start_dst(i, dstb, sem):
            pltpu.async_copy(dst_hbm.at[row0 + i], dstb, sem)

        def wait_dst(i, dstb, sem):
            pltpu.make_async_copy(dst_hbm.at[row0 + i], dstb, sem).wait()

        def scatter(rows, dstb):
            pltpu.sync_copy(rows, acc.at[dstb], add=True)

        assert cpt % 2 == 0
        start_gather(0, rows0, sem0)
        start_dst(0, dst0, semd0)

        @pl.loop(0, cpt - 2, step=2)
        def _(j):
            start_gather(j + 1, rows1, sem1)
            start_dst(j + 1, dst1, semd1)
            wait_gather(j, rows0, sem0)
            wait_dst(j, dst0, semd0)
            scatter(rows0, dst0)
            start_gather(j + 2, rows0, sem0)
            start_dst(j + 2, dst0, semd0)
            wait_gather(j + 1, rows1, sem1)
            wait_dst(j + 1, dst1, semd1)
            scatter(rows1, dst1)

        start_gather(cpt - 1, rows1, sem1)
        start_dst(cpt - 1, dst1, semd1)
        wait_gather(cpt - 2, rows0, sem0)
        wait_dst(cpt - 2, dst0, semd0)
        scatter(rows0, dst0)
        wait_gather(cpt - 1, rows1, sem1)
        wait_dst(cpt - 1, dst1, semd1)
        scatter(rows1, dst1)

        plsc.subcore_barrier()
        pltpu.sync_copy(acc.at[sl], out_hbm.at[c].at[sl])

    return edge_kernel


def _tc_scale1(x_ref, w_ref, degp_ref, g_ref, dinv_ref):
    deg = degp_ref[0, :, 0:1] + degp_ref[1, :, 0:1] + 1.0
    rows = lax.broadcasted_iota(jnp.int32, (NPAD, 1), 0)
    dinv = jnp.where(rows < N, lax.rsqrt(deg), 0.0)
    dinv_ref[...] = dinv
    h = jnp.dot(x_ref[...], w_ref[...], preferred_element_type=jnp.float32)
    g = h * dinv
    g_ref[0] = g[:, :64]
    g_ref[1] = g[:, 64:]


def _tc_mid(s_ref, g_ref, dinv_ref, w2_ref, b1_ref, o_ref):
    s1 = jnp.concatenate([s_ref[0], s_ref[1]], axis=1)
    g1 = jnp.concatenate([g_ref[0], g_ref[1]], axis=1)
    dinv = dinv_ref[...]
    out1 = dinv * (s1 + g1) + b1_ref[...]
    r = jnp.maximum(out1, 0.0)
    g2 = jnp.dot(r, w2_ref[...], preferred_element_type=jnp.float32) * dinv
    o_ref[0] = g2[:, :32]
    o_ref[1] = g2[:, 32:]


def _tc_final(s_ref, g2_ref, dinv_ref, b2_ref, o_ref):
    s2 = jnp.concatenate([s_ref[0], s_ref[1]], axis=1)
    g2 = jnp.concatenate([g2_ref[0], g2_ref[1]], axis=1)
    out2 = dinv_ref[...] * (s2 + g2) + b2_ref[...]
    logits = out2[:N]
    m = jnp.max(logits, axis=1, keepdims=True)
    lse = jnp.log(jnp.sum(jnp.exp(logits - m), axis=1, keepdims=True))
    o_ref[...] = logits - m - lse


def kernel(x, adj_t, W1, b1, W2, b2):
    src = adj_t[0].astype(jnp.int32)
    dst = adj_t[1].astype(jnp.int32)
    pad = E_PAD - E
    src_p = jnp.concatenate(
        [src, jnp.full((pad,), N, jnp.int32)]).reshape(-1, CHUNK)
    dst_p = jnp.concatenate(
        [dst, jnp.full((pad,), N, jnp.int32)]).reshape(-1, CHUNK)
    xpad = jnp.pad(x, ((0, NPAD - N), (0, 0)))

    ones16 = jnp.ones((CHUNK, 16), jnp.float32)
    zeros16 = jnp.zeros((ROWS_PER_TILE, 16), jnp.float32)
    zeros64 = jnp.zeros((ROWS_PER_TILE, 64), jnp.float32)
    zeros32 = jnp.zeros((ROWS_PER_TILE, 32), jnp.float32)
    b1r = b1.reshape(1, D_HID)
    b2r = b2.reshape(1, D_OUT)

    deg_p = _sc_degree_kernel()(dst_p, ones16, zeros16)

    g1h, dinv = pl.pallas_call(
        _tc_scale1,
        out_shape=[jax.ShapeDtypeStruct((NCORES, NPAD, 64), jnp.float32),
                   jax.ShapeDtypeStruct((NPAD, 1), jnp.float32)],
    )(xpad, W1, deg_p)

    s1 = _sc_edge_kernel(64)(g1h, src_p, dst_p, zeros64)

    g2h = pl.pallas_call(
        _tc_mid,
        out_shape=jax.ShapeDtypeStruct((NCORES, NPAD, 32), jnp.float32),
    )(s1, g1h, dinv, W2, b1r)

    s2 = _sc_edge_kernel(32)(g2h, src_p, dst_p, zeros32)

    out = pl.pallas_call(
        _tc_final,
        out_shape=jax.ShapeDtypeStruct((N, D_OUT), jnp.float32),
    )(s2, g2h, dinv, b2r)
    return out

# --- scband reference (transcript-rebuilt; emitter-appended) ---
"""Pipeline reference for scband-gcn-net-73332271612558 (READ-ONLY COPY).

The authoritative reference and input builder live on the scoring server;
editing this copy changes nothing except your own understanding.
"""

import jax, jax.numpy as jnp
import numpy as np

N_NODES = 10000
N_EDGES = 320000
D_FEAT = 128
D_HIDDEN = 128
D_CLASSES = 64


def setup_inputs(seed: int = 0) -> dict:
    key = jax.random.key(seed)
    k1, k2, k3, k4, k5, k6 = jax.random.split(key, 6)
    x = jax.random.normal(k1, (N_NODES, D_FEAT), dtype=jnp.float32)
    adj_t = jax.random.randint(k2, (2, N_EDGES), 0, N_NODES, dtype=jnp.int64)
    # Glorot-style init for GCN weights
    s1 = float(np.sqrt(6.0 / (D_FEAT + D_HIDDEN)))
    s2 = float(np.sqrt(6.0 / (D_HIDDEN + D_CLASSES)))
    W1 = jax.random.uniform(k3, (D_FEAT, D_HIDDEN), dtype=jnp.float32, minval=-s1, maxval=s1)
    b1 = jnp.zeros((D_HIDDEN,), dtype=jnp.float32)
    W2 = jax.random.uniform(k4, (D_HIDDEN, D_CLASSES), dtype=jnp.float32, minval=-s2, maxval=s2)
    b2 = jnp.zeros((D_CLASSES,), dtype=jnp.float32)
    return {"x": x, "adj_t": adj_t, "W1": W1, "b1": b1, "W2": W2, "b2": b2}


def _gcn_conv(x, src, dst, W, b, num_nodes):
    # symmetric normalization with self-loops (torch_geometric GCNConv default)
    loop = jnp.arange(num_nodes, dtype=src.dtype)
    src_full = jnp.concatenate([src, loop])
    dst_full = jnp.concatenate([dst, loop])
    deg = jnp.zeros((num_nodes,), dtype=jnp.float32).at[dst_full].add(1.0)
    deg_inv_sqrt = jnp.where(deg > 0, deg ** -0.5, 0.0)
    norm = deg_inv_sqrt[src_full] * deg_inv_sqrt[dst_full]
    h = x @ W
    msg = h[src_full] * norm[:, None]
    out = jnp.zeros((num_nodes, h.shape[1]), dtype=h.dtype).at[dst_full].add(msg)
    return out + b


def reference(x, adj_t, W1, b1, W2, b2):
    src = adj_t[0]
    dst = adj_t[1]
    num_nodes = x.shape[0]
    h = _gcn_conv(x, src, dst, W1, b1, num_nodes)
    h = jax.nn.relu(h)
    h = _gcn_conv(h, src, dst, W2, b2, num_nodes)
    return jax.nn.log_softmax(h, axis=1)

if __name__ == "__main__":
    import jax
    _d = setup_inputs()
    print(jax.jit(kernel)(*tuple(_d.values())))

</pallas_src>

<mosaic_0001>
#map = affine_map<(d0, d1) -> (0, 0, 0)>
#map1 = affine_map<(d0, d1) -> (0, 0)>
module attributes {stable_mosaic.version = 14 : i64} {
  func.func @edge_kernel(%arg0: i32, %arg1: i32, %arg2: memref<2x10112x32xf32, #tpu.memory_space<hbm>>, %arg3: memref<2528x128xi32, #tpu.memory_space<hbm>>, %arg4: memref<2528x128xi32, #tpu.memory_space<hbm>>, %arg5: memref<632x32xf32, #tpu.memory_space<hbm>>, %arg6: memref<2x10112x32xf32, #tpu.memory_space<hbm>>, %arg7: memref<10112x32xf32, #tpu.memory_space<vmem_shared>>, %arg8: memref<10112x32xf32, #tpu.memory_space<vmem_shared>>, %arg9: memref<158x128xi32, #tpu.memory_space<vmem>>, %arg10: memref<128xi32, #tpu.memory_space<vmem>>, %arg11: memref<128xi32, #tpu.memory_space<vmem>>, %arg12: memref<128x32xf32, #tpu.memory_space<vmem>>, %arg13: memref<128x32xf32, #tpu.memory_space<vmem>>, %arg14: memref<!tpu.dma_semaphore, #tpu.memory_space<semaphore_mem>>, %arg15: memref<!tpu.dma_semaphore, #tpu.memory_space<semaphore_mem>>, %arg16: memref<!tpu.dma_semaphore, #tpu.memory_space<semaphore_mem>>, %arg17: memref<!tpu.dma_semaphore, #tpu.memory_space<semaphore_mem>>) attributes {dimension_semantics = [#tpu.dimension_semantics<core_parallel>, #tpu.dimension_semantics<subcore_parallel>], iteration_bounds = array<i64: 2, 16>, scalar_prefetch = 0 : i64, scratch_operands = 11 : i64, tpu.core_type = #tpu.core_type<sc_vector_subcore>, window_params = [{transform_indices = #map}, {transform_indices = #map1}, {transform_indices = #map1}, {transform_indices = #map1}, {transform_indices = #map}]} {
    %mul3A = arith.constant 632 : i32
    %mul3A_0 = arith.muli %arg1, %mul3A : i32
    %mul3A_1 = arith.constant 158 : i32
    %mul3A_2 = arith.muli %arg1, %mul3A_1 : i32
    %dma_start3A = arith.constant 0 : i32
    %dma_start3A_3 = tpu.memref_slice %arg7[%mul3A_0, %dma_start3A] : memref<10112x32xf32, #tpu.memory_space<vmem_shared>> -> memref<632x32xf32, #tpu.memory_space<vmem_shared>>
    tpu.enqueue_dma source(%arg5 : memref<632x32xf32, #tpu.memory_space<hbm>>) target(%dma_start3A_3 : memref<632x32xf32, #tpu.memory_space<vmem_shared>>) target_semaphore(%arg14 : memref<!tpu.dma_semaphore, #tpu.memory_space<semaphore_mem>>)
    %dma_start3A_4 = arith.constant 0 : i32
    %dma_start3A_5 = tpu.memref_slice %arg8[%mul3A_0, %dma_start3A_4] : memref<10112x32xf32, #tpu.memory_space<vmem_shared>> -> memref<632x32xf32, #tpu.memory_space<vmem_shared>>
    %dma_start3A_6 = arith.constant 0 : i32
    %dma_start3A_7 = arith.constant 0 : i32
    %dma_start3A_8 = tpu.memref_slice %arg2[%arg0, %dma_start3A_6, %dma_start3A_7] : memref<2x10112x32xf32, #tpu.memory_space<hbm>> -> memref<1x10112x32xf32, #tpu.memory_space<hbm>>
    %dma_start3A_9 = tpu.memref_squeeze %dma_start3A_8 : memref<1x10112x32xf32, #tpu.memory_space<hbm>> -> memref<10112x32xf32, #tpu.memory_space<hbm>>
    %dma_start3A_10 = arith.constant 0 : i32
    %dma_start3A_11 = tpu.memref_slice %dma_start3A_9[%mul3A_0, %dma_start3A_10] : memref<10112x32xf32, #tpu.memory_space<hbm>> -> memref<632x32xf32, #tpu.memory_space<hbm>>
    tpu.enqueue_dma source(%dma_start3A_11 : memref<632x32xf32, #tpu.memory_space<hbm>>) target(%dma_start3A_5 : memref<632x32xf32, #tpu.memory_space<vmem_shared>>) target_semaphore(%arg15 : memref<!tpu.dma_semaphore, #tpu.memory_space<semaphore_mem>>)
    %dma_start3A_12 = arith.constant 0 : i32
    %dma_start3A_13 = tpu.memref_slice %arg3[%mul3A_2, %dma_start3A_12] : memref<2528x128xi32, #tpu.memory_space<hbm>> -> memref<158x128xi32, #tpu.memory_space<hbm>>
    %dma_start3A_14 = arith.constant 0 : i32
    %dma_start3A_15 = tpu.memref_slice %arg3[%mul3A_2, %dma_start3A_14] : memref<2528x128xi32, #tpu.memory_space<hbm>> -> memref<158x128xi32, #tpu.memory_space<hbm>>
    tpu.enqueue_dma source(%dma_start3A_15 : memref<158x128xi32, #tpu.memory_space<hbm>>) target(%arg9 : memref<158x128xi32, #tpu.memory_space<vmem>>) target_semaphore(%arg16 : memref<!tpu.dma_semaphore, #tpu.memory_space<semaphore_mem>>)
    %dma_wait3A = arith.constant 0 : i32
    %dma_wait3A_16 = tpu.memref_slice %arg7[%mul3A_0, %dma_wait3A] : memref<10112x32xf32, #tpu.memory_space<vmem_shared>> -> memref<632x32xf32, #tpu.memory_space<vmem_shared>>
    tpu.wait_dma2 semaphore(%arg14 : memref<!tpu.dma_semaphore, #tpu.memory_space<semaphore_mem>>) src(%arg5 : memref<632x32xf32, #tpu.memory_space<hbm>>) dst(%dma_wait3A_16 : memref<632x32xf32, #tpu.memory_space<vmem_shared>>)
    %dma_wait3A_17 = arith.constant 0 : i32
    %dma_wait3A_18 = tpu.memref_slice %arg8[%mul3A_0, %dma_wait3A_17] : memref<10112x32xf32, #tpu.memory_space<vmem_shared>> -> memref<632x32xf32, #tpu.memory_space<vmem_shared>>
    %dma_wait3A_19 = arith.constant 0 : i32
    %dma_wait3A_20 = arith.constant 0 : i32
    %dma_wait3A_21 = tpu.memref_slice %arg2[%arg0, %dma_wait3A_19, %dma_wait3A_20] : memref<2x10112x32xf32, #tpu.memory_space<hbm>> -> memref<1x10112x32xf32, #tpu.memory_space<hbm>>
    %dma_wait3A_22 = tpu.memref_squeeze %dma_wait3A_21 : memref<1x10112x32xf32, #tpu.memory_space<hbm>> -> memref<10112x32xf32, #tpu.memory_space<hbm>>
    %dma_wait3A_23 = arith.constant 0 : i32
    %dma_wait3A_24 = tpu.memref_slice %dma_wait3A_22[%mul3A_0, %dma_wait3A_23] : memref<10112x32xf32, #tpu.memory_space<hbm>> -> memref<632x32xf32, #tpu.memory_space<hbm>>
    tpu.wait_dma2 semaphore(%arg15 : memref<!tpu.dma_semaphore, #tpu.memory_space<semaphore_mem>>) src(%dma_wait3A_24 : memref<632x32xf32, #tpu.memory_space<hbm>>) dst(%dma_wait3A_18 : memref<632x32xf32, #tpu.memory_space<vmem_shared>>)
    %dma_wait3A_25 = arith.constant 0 : i32
    %dma_wait3A_26 = tpu.memref_slice %arg3[%mul3A_2, %dma_wait3A_25] : memref<2528x128xi32, #tpu.memory_space<hbm>> -> memref<158x128xi32, #tpu.memory_space<hbm>>
    %dma_wait3A_27 = arith.constant 0 : i32
    %dma_wait3A_28 = tpu.memref_slice %arg3[%mul3A_2, %dma_wait3A_27] : memref<2528x128xi32, #tpu.memory_space<hbm>> -> memref<158x128xi32, #tpu.memory_space<hbm>>
    tpu.wait_dma2 semaphore(%arg16 : memref<!tpu.dma_semaphore, #tpu.memory_space<semaphore_mem>>) src(%dma_wait3A_28 : memref<158x128xi32, #tpu.memory_space<hbm>>) dst(%arg9 : memref<158x128xi32, #tpu.memory_space<vmem>>)
    %barrier3A = arith.constant 0 : index
    tpu.barrier barrier_id(%barrier3A)
    %dma_start3A_29 = arith.constant 0 : i32
    %dma_start3A_30 = arith.constant 0 : i32
    %dma_start3A_31 = tpu.memref_slice %arg9[%dma_start3A_29, %dma_start3A_30] : memref<158x128xi32, #tpu.memory_space<vmem>> -> memref<1x128xi32, #tpu.memory_space<vmem>>
    %dma_start3A_32 = tpu.memref_squeeze %dma_start3A_31 : memref<1x128xi32, #tpu.memory_space<vmem>> -> memref<128xi32, #tpu.memory_space<vmem>>
    %dma_start3A_33 = arith.constant 0 : i32
    %dma_start3A_34 = arith.constant 0 : i32
    %dma_start3A_35 = tpu.memref_slice %arg8[%dma_start3A_33, %dma_start3A_34] : memref<10112x32xf32, #tpu.memory_space<vmem_shared>> -> memref<10112x32xf32, #tpu.memory_space<vmem_shared>>
    tpu.enqueue_indirect_dma source(%dma_start3A_35 : memref<10112x32xf32, #tpu.memory_space<vmem_shared>>) target(%arg12 : memref<128x32xf32, #tpu.memory_space<vmem>>) offsets(%dma_start3A_32 : memref<128xi32, #tpu.memory_space<vmem>>) semaphore(%arg14 : memref<!tpu.dma_semaphore, #tpu.memory_space<semaphore_mem>>)
    %add3A = arith.constant 0 : i32
    %add3A_36 = arith.addi %mul3A_2, %add3A : i32
    %dma_start3A_37 = arith.constant 0 : i32
    %dma_start3A_38 = tpu.memref_slice %arg4[%add3A_36, %dma_start3A_37] : memref<2528x128xi32, #tpu.memory_space<hbm>> -> memref<1x128xi32, #tpu.memory_space<hbm>>
    %dma_start3A_39 = tpu.memref_squeeze %dma_start3A_38 : memref<1x128xi32, #tpu.memory_space<hbm>> -> memref<128xi32, #tpu.memory_space<hbm>>
    %dma_start3A_40 = arith.constant 0 : i32
    %dma_start3A_41 = tpu.memref_slice %arg4[%add3A_36, %dma_start3A_40] : memref<2528x128xi32, #tpu.memory_space<hbm>> -> memref<1x128xi32, #tpu.memory_space<hbm>>
    %dma_start3A_42 = tpu.memref_squeeze %dma_start3A_41 : memref<1x128xi32, #tpu.memory_space<hbm>> -> memref<128xi32, #tpu.memory_space<hbm>>
    tpu.enqueue_dma source(%dma_start3A_42 : memref<128xi32, #tpu.memory_space<hbm>>) target(%arg10 : memref<128xi32, #tpu.memory_space<vmem>>) target_semaphore(%arg16 : memref<!tpu.dma_semaphore, #tpu.memory_space<semaphore_mem>>)
    %scan3A = arith.constant 0 : i32
    %scan3A_43 = arith.constant 78 : i32
    %scan3A_44 = arith.addi %scan3A, %scan3A_43 : i32
    %scan3A_45 = arith.constant 1 : i32
    scf.for %scan3A_93 = %scan3A to %scan3A_44 step %scan3A_45  : i32 {
      %mul3A_94 = arith.constant 2 : i32
      %mul3A_95 = arith.muli %scan3A_93, %mul3A_94 : i32
      %add3A_96 = arith.constant 0 : i32
      %add3A_97 = arith.addi %add3A_96, %mul3A_95 : i32
      %add3A_98 = arith.constant 1 : i32
      %add3A_99 = arith.addi %add3A_97, %add3A_98 : i32
      %dma_start3A_100 = arith.constant 0 : i32
      %dma_start3A_101 = tpu.memref_slice %arg9[%add3A_99, %dma_start3A_100] : memref<158x128xi32, #tpu.memory_space<vmem>> -> memref<1x128xi32, #tpu.memory_space<vmem>>
      %dma_start3A_102 = tpu.memref_squeeze %dma_start3A_101 : memref<1x128xi32, #tpu.memory_space<vmem>> -> memref<128xi32, #tpu.memory_space<vmem>>
      %dma_start3A_103 = arith.constant 0 : i32
      %dma_start3A_104 = arith.constant 0 : i32
      %dma_start3A_105 = tpu.memref_slice %arg8[%dma_start3A_103, %dma_start3A_104] : memref<10112x32xf32, #tpu.memory_space<vmem_shared>> -> memref<10112x32xf32, #tpu.memory_space<vmem_shared>>
      tpu.enqueue_indirect_dma source(%dma_start3A_105 : memref<10112x32xf32, #tpu.memory_space<vmem_shared>>) target(%arg13 : memref<128x32xf32, #tpu.memory_space<vmem>>) offsets(%dma_start3A_102 : memref<128xi32, #tpu.memory_space<vmem>>) semaphore(%arg15 : memref<!tpu.dma_semaphore, #tpu.memory_space<semaphore_mem>>)
      %add3A_106 = arith.constant 1 : i32
      %add3A_107 = arith.addi %add3A_97, %add3A_106 : i32
      %add3A_108 = arith.addi %mul3A_2, %add3A_107 : i32
      %dma_start3A_109 = arith.constant 0 : i32
      %dma_start3A_110 = tpu.memref_slice %arg4[%add3A_108, %dma_start3A_109] : memref<2528x128xi32, #tpu.memory_space<hbm>> -> memref<1x128xi32, #tpu.memory_space<hbm>>
      %dma_start3A_111 = tpu.memref_squeeze %dma_start3A_110 : memref<1x128xi32, #tpu.memory_space<hbm>> -> memref<128xi32, #tpu.memory_space<hbm>>
      %dma_start3A_112 = arith.constant 0 : i32
      %dma_start3A_113 = tpu.memref_slice %arg4[%add3A_108, %dma_start3A_112] : memref<2528x128xi32, #tpu.memory_space<hbm>> -> memref<1x128xi32, #tpu.memory_space<hbm>>
      %dma_start3A_114 = tpu.memref_squeeze %dma_start3A_113 : memref<1x128xi32, #tpu.memory_space<hbm>> -> memref<128xi32, #tpu.memory_space<hbm>>
      tpu.enqueue_dma source(%dma_start3A_114 : memref<128xi32, #tpu.memory_space<hbm>>) target(%arg11 : memref<128xi32, #tpu.memory_space<vmem>>) target_semaphore(%arg17 : memref<!tpu.dma_semaphore, #tpu.memory_space<semaphore_mem>>)
      %dma_wait3A_115 = arith.constant 0 : i32
      %dma_wait3A_116 = tpu.memref_slice %arg9[%add3A_97, %dma_wait3A_115] : memref<158x128xi32, #tpu.memory_space<vmem>> -> memref<1x128xi32, #tpu.memory_space<vmem>>
      %dma_wait3A_117 = tpu.memref_squeeze %dma_wait3A_116 : memref<1x128xi32, #tpu.memory_space<vmem>> -> memref<128xi32, #tpu.memory_space<vmem>>
      %dma_wait3A_118 = arith.constant 0 : i32
      %dma_wait3A_119 = arith.constant 0 : i32
      %dma_wait3A_120 = tpu.memref_slice %arg8[%dma_wait3A_118, %dma_wait3A_119] : memref<10112x32xf32, #tpu.memory_space<vmem_shared>> -> memref<10112x32xf32, #tpu.memory_space<vmem_shared>>
      tpu.wait_indirect_dma semaphore(%arg14 : memref<!tpu.dma_semaphore, #tpu.memory_space<semaphore_mem>>) src(%dma_wait3A_120 : memref<10112x32xf32, #tpu.memory_space<vmem_shared>>) dst(%arg12 : memref<128x32xf32, #tpu.memory_space<vmem>>)
      %add3A_121 = arith.addi %mul3A_2, %add3A_97 : i32
      %dma_wait3A_122 = arith.constant 0 : i32
      %dma_wait3A_123 = tpu.memref_slice %arg4[%add3A_121, %dma_wait3A_122] : memref<2528x128xi32, #tpu.memory_space<hbm>> -> memref<1x128xi32, #tpu.memory_space<hbm>>
      %dma_wait3A_124 = tpu.memref_squeeze %dma_wait3A_123 : memref<1x128xi32, #tpu.memory_space<hbm>> -> memref<128xi32, #tpu.memory_space<hbm>>
      %dma_wait3A_125 = arith.constant 0 : i32
      %dma_wait3A_126 = tpu.memref_slice %arg4[%add3A_121, %dma_wait3A_125] : memref<2528x128xi32, #tpu.memory_space<hbm>> -> memref<1x128xi32, #tpu.memory_space<hbm>>
      %dma_wait3A_127 = tpu.memref_squeeze %dma_wait3A_126 : memref<1x128xi32, #tpu.memory_space<hbm>> -> memref<128xi32, #tpu.memory_space<hbm>>
      tpu.wait_dma2 semaphore(%arg16 : memref<!tpu.dma_semaphore, #tpu.memory_space<semaphore_mem>>) src(%dma_wait3A_127 : memref<128xi32, #tpu.memory_space<hbm>>) dst(%arg10 : memref<128xi32, #tpu.memory_space<vmem>>)
      "tpu.region"() ({
        %run_scoped3A = tpu.sem_alloc : memref<!tpu.dma_semaphore, #tpu.memory_space<semaphore_mem>>
        %dma_start3A_162 = arith.constant 0 : i32
        %dma_start3A_163 = arith.constant 0 : i32
        %dma_start3A_164 = tpu.memref_slice %arg7[%dma_start3A_162, %dma_start3A_163] : memref<10112x32xf32, #tpu.memory_space<vmem_shared>> -> memref<10112x32xf32, #tpu.memory_space<vmem_shared>>
        tpu.enqueue_indirect_dma source(%arg12 : memref<128x32xf32, #tpu.memory_space<vmem>>) target(%dma_start3A_164 : memref<10112x32xf32, #tpu.memory_space<vmem_shared>>) offsets(%arg10 : memref<128xi32, #tpu.memory_space<vmem>>) semaphore(%run_scoped3A : memref<!tpu.dma_semaphore, #tpu.memory_space<semaphore_mem>>) {add = true}
        %dma_wait3A_165 = arith.constant 0 : i32
        %dma_wait3A_166 = arith.constant 0 : i32
        %dma_wait3A_167 = tpu.memref_slice %arg7[%dma_wait3A_165, %dma_wait3A_166] : memref<10112x32xf32, #tpu.memory_space<vmem_shared>> -> memref<10112x32xf32, #tpu.memory_space<vmem_shared>>
        tpu.wait_indirect_dma semaphore(%run_scoped3A : memref<!tpu.dma_semaphore, #tpu.memory_space<semaphore_mem>>) src(%arg12 : memref<128x32xf32, #tpu.memory_space<vmem>>) dst(%dma_wait3A_167 : memref<10112x32xf32, #tpu.memory_space<vmem_shared>>)
        tpu.yield
      }) : () -> ()
      %add3A_128 = arith.constant 2 : i32
      %add3A_129 = arith.addi %add3A_97, %add3A_128 : i32
      %dma_start3A_130 = arith.constant 0 : i32
      %dma_start3A_131 = tpu.memref_slice %arg9[%add3A_129, %dma_start3A_130] : memref<158x128xi32, #tpu.memory_space<vmem>> -> memref<1x128xi32, #tpu.memory_space<vmem>>
      %dma_start3A_132 = tpu.memref_squeeze %dma_start3A_131 : memref<1x128xi32, #tpu.memory_space<vmem>> -> memref<128xi32, #tpu.memory_space<vmem>>
      %dma_start3A_133 = arith.constant 0 : i32
      %dma_start3A_134 = arith.constant 0 : i32
      %dma_start3A_135 = tpu.memref_slice %arg8[%dma_start3A_133, %dma_start3A_134] : memref<10112x32xf32, #tpu.memory_space<vmem_shared>> -> memref<10112x32xf32, #tpu.memory_space<vmem_shared>>
      tpu.enqueue_indirect_dma source(%dma_start3A_135 : memref<10112x32xf32, #tpu.memory_space<vmem_shared>>) target(%arg12 : memref<128x32xf32, #tpu.memory_space<vmem>>) offsets(%dma_start3A_132 : memref<128xi32, #tpu.memory_space<vmem>>) semaphore(%arg14 : memref<!tpu.dma_semaphore, #tpu.memory_space<semaphore_mem>>)
      %add3A_136 = arith.constant 2 : i32
      %add3A_137 = arith.addi %add3A_97, %add3A_136 : i32
      %add3A_138 = arith.addi %mul3A_2, %add3A_137 : i32
      %dma_start3A_139 = arith.constant 0 : i32
      %dma_start3A_140 = tpu.memref_slice %arg4[%add3A_138, %dma_start3A_139] : memref<2528x128xi32, #tpu.memory_space<hbm>> -> memref<1x128xi32, #tpu.memory_space<hbm>>
      %dma_start3A_141 = tpu.memref_squeeze %dma_start3A_140 : memref<1x128xi32, #tpu.memory_space<hbm>> -> memref<128xi32, #tpu.memory_space<hbm>>
      %dma_start3A_142 = arith.constant 0 : i32
      %dma_start3A_143 = tpu.memref_slice %arg4[%add3A_138, %dma_start3A_142] : memref<2528x128xi32, #tpu.memory_space<hbm>> -> memref<1x128xi32, #tpu.memory_space<hbm>>
      %dma_start3A_144 = tpu.memref_squeeze %dma_start3A_143 : memref<1x128xi32, #tpu.memory_space<hbm>> -> memref<128xi32, #tpu.memory_space<hbm>>
      tpu.enqueue_dma source(%dma_start3A_144 : memref<128xi32, #tpu.memory_space<hbm>>) target(%arg10 : memref<128xi32, #tpu.memory_space<vmem>>) target_semaphore(%arg16 : memref<!tpu.dma_semaphore, #tpu.memory_space<semaphore_mem>>)
      %add3A_145 = arith.constant 1 : i32
      %add3A_146 = arith.addi %add3A_97, %add3A_145 : i32
      %dma_wait3A_147 = arith.constant 0 : i32
      %dma_wait3A_148 = tpu.memref_slice %arg9[%add3A_146, %dma_wait3A_147] : memref<158x128xi32, #tpu.memory_space<vmem>> -> memref<1x128xi32, #tpu.memory_space<vmem>>
      %dma_wait3A_149 = tpu.memref_squeeze %dma_wait3A_148 : memref<1x128xi32, #tpu.memory_space<vmem>> -> memref<128xi32, #tpu.memory_space<vmem>>
      %dma_wait3A_150 = arith.constant 0 : i32
      %dma_wait3A_151 = arith.constant 0 : i32
      %dma_wait3A_152 = tpu.memref_slice %arg8[%dma_wait3A_150, %dma_wait3A_151] : memref<10112x32xf32, #tpu.memory_space<vmem_shared>> -> memref<10112x32xf32, #tpu.memory_space<vmem_shared>>
      tpu.wait_indirect_dma semaphore(%arg15 : memref<!tpu.dma_semaphore, #tpu.memory_space<semaphore_mem>>) src(%dma_wait3A_152 : memref<10112x32xf32, #tpu.memory_space<vmem_shared>>) dst(%arg13 : memref<128x32xf32, #tpu.memory_space<vmem>>)
      %add3A_153 = arith.constant 1 : i32
      %add3A_154 = arith.addi %add3A_97, %add3A_153 : i32
      %add3A_155 = arith.addi %mul3A_2, %add3A_154 : i32
      %dma_wait3A_156 = arith.constant 0 : i32
      %dma_wait3A_157 = tpu.memref_slice %arg4[%add3A_155, %dma_wait3A_156] : memref<2528x128xi32, #tpu.memory_space<hbm>> -> memref<1x128xi32, #tpu.memory_space<hbm>>
      %dma_wait3A_158 = tpu.memref_squeeze %dma_wait3A_157 : memref<1x128xi32, #tpu.memory_space<hbm>> -> memref<128xi32, #tpu.memory_space<hbm>>
      %dma_wait3A_159 = arith.constant 0 : i32
      %dma_wait3A_160 = tpu.memref_slice %arg4[%add3A_155, %dma_wait3A_159] : memref<2528x128xi32, #tpu.memory_space<hbm>> -> memref<1x128xi32, #tpu.memory_space<hbm>>
      %dma_wait3A_161 = tpu.memref_squeeze %dma_wait3A_160 : memref<1x128xi32, #tpu.memory_space<hbm>> -> memref<128xi32, #tpu.memory_space<hbm>>
      tpu.wait_dma2 semaphore(%arg17 : memref<!tpu.dma_semaphore, #tpu.memory_space<semaphore_mem>>) src(%dma_wait3A_161 : memref<128xi32, #tpu.memory_space<hbm>>) dst(%arg11 : memref<128xi32, #tpu.memory_space<vmem>>)
      "tpu.region"() ({
        %run_scoped3A = tpu.sem_alloc : memref<!tpu.dma_semaphore, #tpu.memory_space<semaphore_mem>>
        %dma_start3A_162 = arith.constant 0 : i32
        %dma_start3A_163 = arith.constant 0 : i32
        %dma_start3A_164 = tpu.memref_slice %arg7[%dma_start3A_162, %dma_start3A_163] : memref<10112x32xf32, #tpu.memory_space<vmem_shared>> -> memref<10112x32xf32, #tpu.memory_space<vmem_shared>>
        tpu.enqueue_indirect_dma source(%arg13 : memref<128x32xf32, #tpu.memory_space<vmem>>) target(%dma_start3A_164 : memref<10112x32xf32, #tpu.memory_space<vmem_shared>>) offsets(%arg11 : memref<128xi32, #tpu.memory_space<vmem>>) semaphore(%run_scoped3A : memref<!tpu.dma_semaphore, #tpu.memory_space<semaphore_mem>>) {add = true}
        %dma_wait3A_165 = arith.constant 0 : i32
        %dma_wait3A_166 = arith.constant 0 : i32
        %dma_wait3A_167 = tpu.memref_slice %arg7[%dma_wait3A_165, %dma_wait3A_166] : memref<10112x32xf32, #tpu.memory_space<vmem_shared>> -> memref<10112x32xf32, #tpu.memory_space<vmem_shared>>
        tpu.wait_indirect_dma semaphore(%run_scoped3A : memref<!tpu.dma_semaphore, #tpu.memory_space<semaphore_mem>>) src(%arg13 : memref<128x32xf32, #tpu.memory_space<vmem>>) dst(%dma_wait3A_167 : memref<10112x32xf32, #tpu.memory_space<vmem_shared>>)
        tpu.yield
      }) : () -> ()
    }
    %scan3A_46 = arith.constant 78 : i32
    %dma_start3A_47 = arith.constant 157 : i32
    %dma_start3A_48 = arith.constant 0 : i32
    %dma_start3A_49 = tpu.memref_slice %arg9[%dma_start3A_47, %dma_start3A_48] : memref<158x128xi32, #tpu.memory_space<vmem>> -> memref<1x128xi32, #tpu.memory_space<vmem>>
    %dma_start3A_50 = tpu.memref_squeeze %dma_start3A_49 : memref<1x128xi32, #tpu.memory_space<vmem>> -> memref<128xi32, #tpu.memory_space<vmem>>
    %dma_start3A_51 = arith.constant 0 : i32
    %dma_start3A_52 = arith.constant 0 : i32
    %dma_start3A_53 = tpu.memref_slice %arg8[%dma_start3A_51, %dma_start3A_52] : memref<10112x32xf32, #tpu.memory_space<vmem_shared>> -> memref<10112x32xf32, #tpu.memory_space<vmem_shared>>
    tpu.enqueue_indirect_dma source(%dma_start3A_53 : memref<10112x32xf32, #tpu.memory_space<vmem_shared>>) target(%arg13 : memref<128x32xf32, #tpu.memory_space<vmem>>) offsets(%dma_start3A_50 : memref<128xi32, #tpu.memory_space<vmem>>) semaphore(%arg15 : memref<!tpu.dma_semaphore, #tpu.memory_space<semaphore_mem>>)
    %add3A_54 = arith.constant 157 : i32
    %add3A_55 = arith.addi %mul3A_2, %add3A_54 : i32
    %dma_start3A_56 = arith.constant 0 : i32
    %dma_start3A_57 = tpu.memref_slice %arg4[%add3A_55, %dma_start3A_56] : memref<2528x128xi32, #tpu.memory_space<hbm>> -> memref<1x128xi32, #tpu.memory_space<hbm>>
    %dma_start3A_58 = tpu.memref_squeeze %dma_start3A_57 : memref<1x128xi32, #tpu.memory_space<hbm>> -> memref<128xi32, #tpu.memory_space<hbm>>
    %dma_start3A_59 = arith.constant 0 : i32
    %dma_start3A_60 = tpu.memref_slice %arg4[%add3A_55, %dma_start3A_59] : memref<2528x128xi32, #tpu.memory_space<hbm>> -> memref<1x128xi32, #tpu.memory_space<hbm>>
    %dma_start3A_61 = tpu.memref_squeeze %dma_start3A_60 : memref<1x128xi32, #tpu.memory_space<hbm>> -> memref<128xi32, #tpu.memory_space<hbm>>
    tpu.enqueue_dma source(%dma_start3A_61 : memref<128xi32, #tpu.memory_space<hbm>>) target(%arg11 : memref<128xi32, #tpu.memory_space<vmem>>) target_semaphore(%arg17 : memref<!tpu.dma_semaphore, #tpu.memory_space<semaphore_mem>>)
    %dma_wait3A_62 = arith.constant 156 : i32
    %dma_wait3A_63 = arith.constant 0 : i32
    %dma_wait3A_64 = tpu.memref_slice %arg9[%dma_wait3A_62, %dma_wait3A_63] : memref<158x128xi32, #tpu.memory_space<vmem>> -> memref<1x128xi32, #tpu.memory_space<vmem>>
    %dma_wait3A_65 = tpu.memref_squeeze %dma_wait3A_64 : memref<1x128xi32, #tpu.memory_space<vmem>> -> memref<128xi32, #tpu.memory_space<vmem>>
    %dma_wait3A_66 = arith.constant 0 : i32
    %dma_wait3A_67 = arith.constant 0 : i32
    %dma_wait3A_68 = tpu.memref_slice %arg8[%dma_wait3A_66, %dma_wait3A_67] : memref<10112x32xf32, #tpu.memory_space<vmem_shared>> -> memref<10112x32xf32, #tpu.memory_space<vmem_shared>>
    tpu.wait_indirect_dma semaphore(%arg14 : memref<!tpu.dma_semaphore, #tpu.memory_space<semaphore_mem>>) src(%dma_wait3A_68 : memref<10112x32xf32, #tpu.memory_space<vmem_shared>>) dst(%arg12 : memref<128x32xf32, #tpu.memory_space<vmem>>)
    %add3A_69 = arith.constant 156 : i32
    %add3A_70 = arith.addi %mul3A_2, %add3A_69 : i32
    %dma_wait3A_71 = arith.constant 0 : i32
    %dma_wait3A_72 = tpu.memref_slice %arg4[%add3A_70, %dma_wait3A_71] : memref<2528x128xi32, #tpu.memory_space<hbm>> -> memref<1x128xi32, #tpu.memory_space<hbm>>
    %dma_wait3A_73 = tpu.memref_squeeze %dma_wait3A_72 : memref<1x128xi32, #tpu.memory_space<hbm>> -> memref<128xi32, #tpu.memory_space<hbm>>
    %dma_wait3A_74 = arith.constant 0 : i32
    %dma_wait3A_75 = tpu.memref_slice %arg4[%add3A_70, %dma_wait3A_74] : memref<2528x128xi32, #tpu.memory_space<hbm>> -> memref<1x128xi32, #tpu.memory_space<hbm>>
    %dma_wait3A_76 = tpu.memref_squeeze %dma_wait3A_75 : memref<1x128xi32, #tpu.memory_space<hbm>> -> memref<128xi32, #tpu.memory_space<hbm>>
    tpu.wait_dma2 semaphore(%arg16 : memref<!tpu.dma_semaphore, #tpu.memory_space<semaphore_mem>>) src(%dma_wait3A_76 : memref<128xi32, #tpu.memory_space<hbm>>) dst(%arg10 : memref<128xi32, #tpu.memory_space<vmem>>)
    "tpu.region"() ({
      %run_scoped3A = tpu.sem_alloc : memref<!tpu.dma_semaphore, #tpu.memory_space<semaphore_mem>>
      %dma_start3A_93 = arith.constant 0 : i32
      %dma_start3A_94 = arith.constant 0 : i32
      %dma_start3A_95 = tpu.memref_slice %arg7[%dma_start3A_93, %dma_start3A_94] : memref<10112x32xf32, #tpu.memory_space<vmem_shared>> -> memref<10112x32xf32, #tpu.memory_space<vmem_shared>>
      tpu.enqueue_indirect_dma source(%arg12 : memref<128x32xf32, #tpu.memory_space<vmem>>) target(%dma_start3A_95 : memref<10112x32xf32, #tpu.memory_space<vmem_shared>>) offsets(%arg10 : memref<128xi32, #tpu.memory_space<vmem>>) semaphore(%run_scoped3A : memref<!tpu.dma_semaphore, #tpu.memory_space<semaphore_mem>>) {add = true}
      %dma_wait3A_96 = arith.constant 0 : i32
      %dma_wait3A_97 = arith.constant 0 : i32
      %dma_wait3A_98 = tpu.memref_slice %arg7[%dma_wait3A_96, %dma_wait3A_97] : memref<10112x32xf32, #tpu.memory_space<vmem_shared>> -> memref<10112x32xf32, #tpu.memory_space<vmem_shared>>
      tpu.wait_indirect_dma semaphore(%run_scoped3A : memref<!tpu.dma_semaphore, #tpu.memory_space<semaphore_mem>>) src(%arg12 : memref<128x32xf32, #tpu.memory_space<vmem>>) dst(%dma_wait3A_98 : memref<10112x32xf32, #tpu.memory_space<vmem_shared>>)
      tpu.yield
    }) : () -> ()
    %dma_wait3A_77 = arith.constant 157 : i32
    %dma_wait3A_78 = arith.constant 0 : i32
    %dma_wait3A_79 = tpu.memref_slice %arg9[%dma_wait3A_77, %dma_wait3A_78] : memref<158x128xi32, #tpu.memory_space<vmem>> -> memref<1x128xi32, #tpu.memory_space<vmem>>
    %dma_wait3A_80 = tpu.memref_squeeze %dma_wait3A_79 : memref<1x128xi32, #tpu.memory_space<vmem>> -> memref<128xi32, #tpu.memory_space<vmem>>
    %dma_wait3A_81 = arith.constant 0 : i32
    %dma_wait3A_82 = arith.constant 0 : i32
    %dma_wait3A_83 = tpu.memref_slice %arg8[%dma_wait3A_81, %dma_wait3A_82] : memref<10112x32xf32, #tpu.memory_space<vmem_shared>> -> memref<10112x32xf32, #tpu.memory_space<vmem_shared>>
    tpu.wait_indirect_dma semaphore(%arg15 : memref<!tpu.dma_semaphore, #tpu.memory_space<semaphore_mem>>) src(%dma_wait3A_83 : memref<10112x32xf32, #tpu.memory_space<vmem_shared>>) dst(%arg13 : memref<128x32xf32, #tpu.memory_space<vmem>>)
    %add3A_84 = arith.constant 157 : i32
    %add3A_85 = arith.addi %mul3A_2, %add3A_84 : i32
    %dma_wait3A_86 = arith.constant 0 : i32
    %dma_wait3A_87 = tpu.memref_slice %arg4[%add3A_85, %dma_wait3A_86] : memref<2528x128xi32, #tpu.memory_space<hbm>> -> memref<1x128xi32, #tpu.memory_space<hbm>>
    %dma_wait3A_88 = tpu.memref_squeeze %dma_wait3A_87 : memref<1x128xi32, #tpu.memory_space<hbm>> -> memref<128xi32, #tpu.memory_space<hbm>>
    %dma_wait3A_89 = arith.constant 0 : i32
    %dma_wait3A_90 = tpu.memref_slice %arg4[%add3A_85, %dma_wait3A_89] : memref<2528x128xi32, #tpu.memory_space<hbm>> -> memref<1x128xi32, #tpu.memory_space<hbm>>
    %dma_wait3A_91 = tpu.memref_squeeze %dma_wait3A_90 : memref<1x128xi32, #tpu.memory_space<hbm>> -> memref<128xi32, #tpu.memory_space<hbm>>
    tpu.wait_dma2 semaphore(%arg17 : memref<!tpu.dma_semaphore, #tpu.memory_space<semaphore_mem>>) src(%dma_wait3A_91 : memref<128xi32, #tpu.memory_space<hbm>>) dst(%arg11 : memref<128xi32, #tpu.memory_space<vmem>>)
    "tpu.region"() ({
      %run_scoped3A = tpu.sem_alloc : memref<!tpu.dma_semaphore, #tpu.memory_space<semaphore_mem>>
      %dma_start3A_93 = arith.constant 0 : i32
      %dma_start3A_94 = arith.constant 0 : i32
      %dma_start3A_95 = tpu.memref_slice %arg7[%dma_start3A_93, %dma_start3A_94] : memref<10112x32xf32, #tpu.memory_space<vmem_shared>> -> memref<10112x32xf32, #tpu.memory_space<vmem_shared>>
      tpu.enqueue_indirect_dma source(%arg13 : memref<128x32xf32, #tpu.memory_space<vmem>>) target(%dma_start3A_95 : memref<10112x32xf32, #tpu.memory_space<vmem_shared>>) offsets(%arg11 : memref<128xi32, #tpu.memory_space<vmem>>) semaphore(%run_scoped3A : memref<!tpu.dma_semaphore, #tpu.memory_space<semaphore_mem>>) {add = true}
      %dma_wait3A_96 = arith.constant 0 : i32
      %dma_wait3A_97 = arith.constant 0 : i32
      %dma_wait3A_98 = tpu.memref_slice %arg7[%dma_wait3A_96, %dma_wait3A_97] : memref<10112x32xf32, #tpu.memory_space<vmem_shared>> -> memref<10112x32xf32, #tpu.memory_space<vmem_shared>>
      tpu.wait_indirect_dma semaphore(%run_scoped3A : memref<!tpu.dma_semaphore, #tpu.memory_space<semaphore_mem>>) src(%arg13 : memref<128x32xf32, #tpu.memory_space<vmem>>) dst(%dma_wait3A_98 : memref<10112x32xf32, #tpu.memory_space<vmem_shared>>)
      tpu.yield
    }) : () -> ()
    %barrier3A_92 = arith.constant 0 : index
    tpu.barrier barrier_id(%barrier3A_92)
    "tpu.region"() ({
      %run_scoped3A = tpu.sem_alloc : memref<!tpu.dma_semaphore, #tpu.memory_space<semaphore_mem>>
      %dma_start3A_93 = arith.constant 0 : i32
      %dma_start3A_94 = arith.constant 0 : i32
      %dma_start3A_95 = tpu.memref_slice %arg6[%arg0, %dma_start3A_93, %dma_start3A_94] : memref<2x10112x32xf32, #tpu.memory_space<hbm>> -> memref<1x10112x32xf32, #tpu.memory_space<hbm>>
      %dma_start3A_96 = tpu.memref_squeeze %dma_start3A_95 : memref<1x10112x32xf32, #tpu.memory_space<hbm>> -> memref<10112x32xf32, #tpu.memory_space<hbm>>
      %dma_start3A_97 = arith.constant 0 : i32
      %dma_start3A_98 = tpu.memref_slice %dma_start3A_96[%mul3A_0, %dma_start3A_97] : memref<10112x32xf32, #tpu.memory_space<hbm>> -> memref<632x32xf32, #tpu.memory_space<hbm>>
      %dma_start3A_99 = arith.constant 0 : i32
      %dma_start3A_100 = tpu.memref_slice %arg7[%mul3A_0, %dma_start3A_99] : memref<10112x32xf32, #tpu.memory_space<vmem_shared>> -> memref<632x32xf32, #tpu.memory_space<vmem_shared>>
      tpu.enqueue_dma source(%dma_start3A_100 : memref<632x32xf32, #tpu.memory_space<vmem_shared>>) target(%dma_start3A_98 : memref<632x32xf32, #tpu.memory_space<hbm>>) target_semaphore(%run_scoped3A : memref<!tpu.dma_semaphore, #tpu.memory_space<semaphore_mem>>)
      %dma_wait3A_101 = arith.constant 0 : i32
      %dma_wait3A_102 = arith.constant 0 : i32
      %dma_wait3A_103 = tpu.memref_slice %arg6[%arg0, %dma_wait3A_101, %dma_wait3A_102] : memref<2x10112x32xf32, #tpu.memory_space<hbm>> -> memref<1x10112x32xf32, #tpu.memory_space<hbm>>
      %dma_wait3A_104 = tpu.memref_squeeze %dma_wait3A_103 : memref<1x10112x32xf32, #tpu.memory_space<hbm>> -> memref<10112x32xf32, #tpu.memory_space<hbm>>
      %dma_wait3A_105 = arith.constant 0 : i32
      %dma_wait3A_106 = tpu.memref_slice %dma_wait3A_104[%mul3A_0, %dma_wait3A_105] : memref<10112x32xf32, #tpu.memory_space<hbm>> -> memref<632x32xf32, #tpu.memory_space<hbm>>
      %dma_wait3A_107 = arith.constant 0 : i32
      %dma_wait3A_108 = tpu.memref_slice %arg7[%mul3A_0, %dma_wait3A_107] : memref<10112x32xf32, #tpu.memory_space<vmem_shared>> -> memref<632x32xf32, #tpu.memory_space<vmem_shared>>
      tpu.wait_dma2 semaphore(%run_scoped3A : memref<!tpu.dma_semaphore, #tpu.memory_space<semaphore_mem>>) src(%dma_wait3A_108 : memref<632x32xf32, #tpu.memory_space<vmem_shared>>) dst(%dma_wait3A_106 : memref<632x32xf32, #tpu.memory_space<hbm>>)
      tpu.yield
    }) : () -> ()
    return
  }
}

#map = affine_map<(d0, d1) -> (0, 0, 0)>
#map1 = affine_map<(d0, d1) -> (0, 0)>
module attributes {stable_mosaic.version = 14 : i64} {
  func.func @edge_kernel(%arg0: i32, %arg1: i32, %arg2: memref<2x10112x64xf32, #tpu.memory_space<hbm>>, %arg3: memref<2528x128xi32, #tpu.memory_space<hbm>>, %arg4: memref<2528x128xi32, #tpu.memory_space<hbm>>, %arg5: memref<632x64xf32, #tpu.memory_space<hbm>>, %arg6: memref<2x10112x64xf32, #tpu.memory_space<hbm>>, %arg7: memref<10112x64xf32, #tpu.memory_space<vmem_shared>>, %arg8: memref<10112x64xf32, #tpu.memory_space<vmem_shared>>, %arg9: memref<158x128xi32, #tpu.memory_space<vmem>>, %arg10: memref<128xi32, #tpu.memory_space<vmem>>, %arg11: memref<128xi32, #tpu.memory_space<vmem>>, %arg12: memref<128x64xf32, #tpu.memory_space<vmem>>, %arg13: memref<128x64xf32, #tpu.memory_space<vmem>>, %arg14: memref<!tpu.dma_semaphore, #tpu.memory_space<semaphore_mem>>, %arg15: memref<!tpu.dma_semaphore, #tpu.memory_space<semaphore_mem>>, %arg16: memref<!tpu.dma_semaphore, #tpu.memory_space<semaphore_mem>>, %arg17: memref<!tpu.dma_semaphore, #tpu.memory_space<semaphore_mem>>) attributes {dimension_semantics = [#tpu.dimension_semantics<core_parallel>, #tpu.dimension_semantics<subcore_parallel>], iteration_bounds = array<i64: 2, 16>, scalar_prefetch = 0 : i64, scratch_operands = 11 : i64, tpu.core_type = #tpu.core_type<sc_vector_subcore>, window_params = [{transform_indices = #map}, {transform_indices = #map1}, {transform_indices = #map1}, {transform_indices = #map1}, {transform_indices = #map}]} {
    %mul3A = arith.constant 632 : i32
    %mul3A_0 = arith.muli %arg1, %mul3A : i32
    %mul3A_1 = arith.constant 158 : i32
    %mul3A_2 = arith.muli %arg1, %mul3A_1 : i32
    %dma_start3A = arith.constant 0 : i32
    %dma_start3A_3 = tpu.memref_slice %arg7[%mul3A_0, %dma_start3A] : memref<10112x64xf32, #tpu.memory_space<vmem_shared>> -> memref<632x64xf32, #tpu.memory_space<vmem_shared>>
    tpu.enqueue_dma source(%arg5 : memref<632x64xf32, #tpu.memory_space<hbm>>) target(%dma_start3A_3 : memref<632x64xf32, #tpu.memory_space<vmem_shared>>) target_semaphore(%arg14 : memref<!tpu.dma_semaphore, #tpu.memory_space<semaphore_mem>>)
    %dma_start3A_4 = arith.constant 0 : i32
    %dma_start3A_5 = tpu.memref_slice %arg8[%mul3A_0, %dma_start3A_4] : memref<10112x64xf32, #tpu.memory_space<vmem_shared>> -> memref<632x64xf32, #tpu.memory_space<vmem_shared>>
    %dma_start3A_6 = arith.constant 0 : i32
    %dma_start3A_7 = arith.constant 0 : i32
    %dma_start3A_8 = tpu.memref_slice %arg2[%arg0, %dma_start3A_6, %dma_start3A_7] : memref<2x10112x64xf32, #tpu.memory_space<hbm>> -> memref<1x10112x64xf32, #tpu.memory_space<hbm>>
    %dma_start3A_9 = tpu.memref_squeeze %dma_start3A_8 : memref<1x10112x64xf32, #tpu.memory_space<hbm>> -> memref<10112x64xf32, #tpu.memory_space<hbm>>
    %dma_start3A_10 = arith.constant 0 : i32
    %dma_start3A_11 = tpu.memref_slice %dma_start3A_9[%mul3A_0, %dma_start3A_10] : memref<10112x64xf32, #tpu.memory_space<hbm>> -> memref<632x64xf32, #tpu.memory_space<hbm>>
    tpu.enqueue_dma source(%dma_start3A_11 : memref<632x64xf32, #tpu.memory_space<hbm>>) target(%dma_start3A_5 : memref<632x64xf32, #tpu.memory_space<vmem_shared>>) target_semaphore(%arg15 : memref<!tpu.dma_semaphore, #tpu.memory_space<semaphore_mem>>)
    %dma_start3A_12 = arith.constant 0 : i32
    %dma_start3A_13 = tpu.memref_slice %arg3[%mul3A_2, %dma_start3A_12] : memref<2528x128xi32, #tpu.memory_space<hbm>> -> memref<158x128xi32, #tpu.memory_space<hbm>>
    %dma_start3A_14 = arith.constant 0 : i32
    %dma_start3A_15 = tpu.memref_slice %arg3[%mul3A_2, %dma_start3A_14] : memref<2528x128xi32, #tpu.memory_space<hbm>> -> memref<158x128xi32, #tpu.memory_space<hbm>>
    tpu.enqueue_dma source(%dma_start3A_15 : memref<158x128xi32, #tpu.memory_space<hbm>>) target(%arg9 : memref<158x128xi32, #tpu.memory_space<vmem>>) target_semaphore(%arg16 : memref<!tpu.dma_semaphore, #tpu.memory_space<semaphore_mem>>)
    %dma_wait3A = arith.constant 0 : i32
    %dma_wait3A_16 = tpu.memref_slice %arg7[%mul3A_0, %dma_wait3A] : memref<10112x64xf32, #tpu.memory_space<vmem_shared>> -> memref<632x64xf32, #tpu.memory_space<vmem_shared>>
    tpu.wait_dma2 semaphore(%arg14 : memref<!tpu.dma_semaphore, #tpu.memory_space<semaphore_mem>>) src(%arg5 : memref<632x64xf32, #tpu.memory_space<hbm>>) dst(%dma_wait3A_16 : memref<632x64xf32, #tpu.memory_space<vmem_shared>>)
    %dma_wait3A_17 = arith.constant 0 : i32
    %dma_wait3A_18 = tpu.memref_slice %arg8[%mul3A_0, %dma_wait3A_17] : memref<10112x64xf32, #tpu.memory_space<vmem_shared>> -> memref<632x64xf32, #tpu.memory_space<vmem_shared>>
    %dma_wait3A_19 = arith.constant 0 : i32
    %dma_wait3A_20 = arith.constant 0 : i32
    %dma_wait3A_21 = tpu.memref_slice %arg2[%arg0, %dma_wait3A_19, %dma_wait3A_20] : memref<2x10112x64xf32, #tpu.memory_space<hbm>> -> memref<1x10112x64xf32, #tpu.memory_space<hbm>>
    %dma_wait3A_22 = tpu.memref_squeeze %dma_wait3A_21 : memref<1x10112x64xf32, #tpu.memory_space<hbm>> -> memref<10112x64xf32, #tpu.memory_space<hbm>>
    %dma_wait3A_23 = arith.constant 0 : i32
    %dma_wait3A_24 = tpu.memref_slice %dma_wait3A_22[%mul3A_0, %dma_wait3A_23] : memref<10112x64xf32, #tpu.memory_space<hbm>> -> memref<632x64xf32, #tpu.memory_space<hbm>>
    tpu.wait_dma2 semaphore(%arg15 : memref<!tpu.dma_semaphore, #tpu.memory_space<semaphore_mem>>) src(%dma_wait3A_24 : memref<632x64xf32, #tpu.memory_space<hbm>>) dst(%dma_wait3A_18 : memref<632x64xf32, #tpu.memory_space<vmem_shared>>)
    %dma_wait3A_25 = arith.constant 0 : i32
    %dma_wait3A_26 = tpu.memref_slice %arg3[%mul3A_2, %dma_wait3A_25] : memref<2528x128xi32, #tpu.memory_space<hbm>> -> memref<158x128xi32, #tpu.memory_space<hbm>>
    %dma_wait3A_27 = arith.constant 0 : i32
    %dma_wait3A_28 = tpu.memref_slice %arg3[%mul3A_2, %dma_wait3A_27] : memref<2528x128xi32, #tpu.memory_space<hbm>> -> memref<158x128xi32, #tpu.memory_space<hbm>>
    tpu.wait_dma2 semaphore(%arg16 : memref<!tpu.dma_semaphore, #tpu.memory_space<semaphore_mem>>) src(%dma_wait3A_28 : memref<158x128xi32, #tpu.memory_space<hbm>>) dst(%arg9 : memref<158x128xi32, #tpu.memory_space<vmem>>)
    %barrier3A = arith.constant 0 : index
    tpu.barrier barrier_id(%barrier3A)
    %dma_start3A_29 = arith.constant 0 : i32
    %dma_start3A_30 = arith.constant 0 : i32
    %dma_start3A_31 = tpu.memref_slice %arg9[%dma_start3A_29, %dma_start3A_30] : memref<158x128xi32, #tpu.memory_space<vmem>> -> memref<1x128xi32, #tpu.memory_space<vmem>>
    %dma_start3A_32 = tpu.memref_squeeze %dma_start3A_31 : memref<1x128xi32, #tpu.memory_space<vmem>> -> memref<128xi32, #tpu.memory_space<vmem>>
    %dma_start3A_33 = arith.constant 0 : i32
    %dma_start3A_34 = arith.constant 0 : i32
    %dma_start3A_35 = tpu.memref_slice %arg8[%dma_start3A_33, %dma_start3A_34] : memref<10112x64xf32, #tpu.memory_space<vmem_shared>> -> memref<10112x64xf32, #tpu.memory_space<vmem_shared>>
    tpu.enqueue_indirect_dma source(%dma_start3A_35 : memref<10112x64xf32, #tpu.memory_space<vmem_shared>>) target(%arg12 : memref<128x64xf32, #tpu.memory_space<vmem>>) offsets(%dma_start3A_32 : memref<128xi32, #tpu.memory_space<vmem>>) semaphore(%arg14 : memref<!tpu.dma_semaphore, #tpu.memory_space<semaphore_mem>>)
    %add3A = arith.constant 0 : i32
    %add3A_36 = arith.addi %mul3A_2, %add3A : i32
    %dma_start3A_37 = arith.constant 0 : i32
    %dma_start3A_38 = tpu.memref_slice %arg4[%add3A_36, %dma_start3A_37] : memref<2528x128xi32, #tpu.memory_space<hbm>> -> memref<1x128xi32, #tpu.memory_space<hbm>>
    %dma_start3A_39 = tpu.memref_squeeze %dma_start3A_38 : memref<1x128xi32, #tpu.memory_space<hbm>> -> memref<128xi32, #tpu.memory_space<hbm>>
    %dma_start3A_40 = arith.constant 0 : i32
    %dma_start3A_41 = tpu.memref_slice %arg4[%add3A_36, %dma_start3A_40] : memref<2528x128xi32, #tpu.memory_space<hbm>> -> memref<1x128xi32, #tpu.memory_space<hbm>>
    %dma_start3A_42 = tpu.memref_squeeze %dma_start3A_41 : memref<1x128xi32, #tpu.memory_space<hbm>> -> memref<128xi32, #tpu.memory_space<hbm>>
    tpu.enqueue_dma source(%dma_start3A_42 : memref<128xi32, #tpu.memory_space<hbm>>) target(%arg10 : memref<128xi32, #tpu.memory_space<vmem>>) target_semaphore(%arg16 : memref<!tpu.dma_semaphore, #tpu.memory_space<semaphore_mem>>)
    %scan3A = arith.constant 0 : i32
    %scan3A_43 = arith.constant 78 : i32
    %scan3A_44 = arith.addi %scan3A, %scan3A_43 : i32
    %scan3A_45 = arith.constant 1 : i32
    scf.for %scan3A_93 = %scan3A to %scan3A_44 step %scan3A_45  : i32 {
      %mul3A_94 = arith.constant 2 : i32
      %mul3A_95 = arith.muli %scan3A_93, %mul3A_94 : i32
      %add3A_96 = arith.constant 0 : i32
      %add3A_97 = arith.addi %add3A_96, %mul3A_95 : i32
      %add3A_98 = arith.constant 1 : i32
      %add3A_99 = arith.addi %add3A_97, %add3A_98 : i32
      %dma_start3A_100 = arith.constant 0 : i32
      %dma_start3A_101 = tpu.memref_slice %arg9[%add3A_99, %dma_start3A_100] : memref<158x128xi32, #tpu.memory_space<vmem>> -> memref<1x128xi32, #tpu.memory_space<vmem>>
      %dma_start3A_102 = tpu.memref_squeeze %dma_start3A_101 : memref<1x128xi32, #tpu.memory_space<vmem>> -> memref<128xi32, #tpu.memory_space<vmem>>
      %dma_start3A_103 = arith.constant 0 : i32
      %dma_start3A_104 = arith.constant 0 : i32
      %dma_start3A_105 = tpu.memref_slice %arg8[%dma_start3A_103, %dma_start3A_104] : memref<10112x64xf32, #tpu.memory_space<vmem_shared>> -> memref<10112x64xf32, #tpu.memory_space<vmem_shared>>
      tpu.enqueue_indirect_dma source(%dma_start3A_105 : memref<10112x64xf32, #tpu.memory_space<vmem_shared>>) target(%arg13 : memref<128x64xf32, #tpu.memory_space<vmem>>) offsets(%dma_start3A_102 : memref<128xi32, #tpu.memory_space<vmem>>) semaphore(%arg15 : memref<!tpu.dma_semaphore, #tpu.memory_space<semaphore_mem>>)
      %add3A_106 = arith.constant 1 : i32
      %add3A_107 = arith.addi %add3A_97, %add3A_106 : i32
      %add3A_108 = arith.addi %mul3A_2, %add3A_107 : i32
      %dma_start3A_109 = arith.constant 0 : i32
      %dma_start3A_110 = tpu.memref_slice %arg4[%add3A_108, %dma_start3A_109] : memref<2528x128xi32, #tpu.memory_space<hbm>> -> memref<1x128xi32, #tpu.memory_space<hbm>>
      %dma_start3A_111 = tpu.memref_squeeze %dma_start3A_110 : memref<1x128xi32, #tpu.memory_space<hbm>> -> memref<128xi32, #tpu.memory_space<hbm>>
      %dma_start3A_112 = arith.constant 0 : i32
      %dma_start3A_113 = tpu.memref_slice %arg4[%add3A_108, %dma_start3A_112] : memref<2528x128xi32, #tpu.memory_space<hbm>> -> memref<1x128xi32, #tpu.memory_space<hbm>>
      %dma_start3A_114 = tpu.memref_squeeze %dma_start3A_113 : memref<1x128xi32, #tpu.memory_space<hbm>> -> memref<128xi32, #tpu.memory_space<hbm>>
      tpu.enqueue_dma source(%dma_start3A_114 : memref<128xi32, #tpu.memory_space<hbm>>) target(%arg11 : memref<128xi32, #tpu.memory_space<vmem>>) target_semaphore(%arg17 : memref<!tpu.dma_semaphore, #tpu.memory_space<semaphore_mem>>)
      %dma_wait3A_115 = arith.constant 0 : i32
      %dma_wait3A_116 = tpu.memref_slice %arg9[%add3A_97, %dma_wait3A_115] : memref<158x128xi32, #tpu.memory_space<vmem>> -> memref<1x128xi32, #tpu.memory_space<vmem>>
      %dma_wait3A_117 = tpu.memref_squeeze %dma_wait3A_116 : memref<1x128xi32, #tpu.memory_space<vmem>> -> memref<128xi32, #tpu.memory_space<vmem>>
      %dma_wait3A_118 = arith.constant 0 : i32
      %dma_wait3A_119 = arith.constant 0 : i32
      %dma_wait3A_120 = tpu.memref_slice %arg8[%dma_wait3A_118, %dma_wait3A_119] : memref<10112x64xf32, #tpu.memory_space<vmem_shared>> -> memref<10112x64xf32, #tpu.memory_space<vmem_shared>>
      tpu.wait_indirect_dma semaphore(%arg14 : memref<!tpu.dma_semaphore, #tpu.memory_space<semaphore_mem>>) src(%dma_wait3A_120 : memref<10112x64xf32, #tpu.memory_space<vmem_shared>>) dst(%arg12 : memref<128x64xf32, #tpu.memory_space<vmem>>)
      %add3A_121 = arith.addi %mul3A_2, %add3A_97 : i32
      %dma_wait3A_122 = arith.constant 0 : i32
      %dma_wait3A_123 = tpu.memref_slice %arg4[%add3A_121, %dma_wait3A_122] : memref<2528x128xi32, #tpu.memory_space<hbm>> -> memref<1x128xi32, #tpu.memory_space<hbm>>
      %dma_wait3A_124 = tpu.memref_squeeze %dma_wait3A_123 : memref<1x128xi32, #tpu.memory_space<hbm>> -> memref<128xi32, #tpu.memory_space<hbm>>
      %dma_wait3A_125 = arith.constant 0 : i32
      %dma_wait3A_126 = tpu.memref_slice %arg4[%add3A_121, %dma_wait3A_125] : memref<2528x128xi32, #tpu.memory_space<hbm>> -> memref<1x128xi32, #tpu.memory_space<hbm>>
      %dma_wait3A_127 = tpu.memref_squeeze %dma_wait3A_126 : memref<1x128xi32, #tpu.memory_space<hbm>> -> memref<128xi32, #tpu.memory_space<hbm>>
      tpu.wait_dma2 semaphore(%arg16 : memref<!tpu.dma_semaphore, #tpu.memory_space<semaphore_mem>>) src(%dma_wait3A_127 : memref<128xi32, #tpu.memory_space<hbm>>) dst(%arg10 : memref<128xi32, #tpu.memory_space<vmem>>)
      "tpu.region"() ({
        %run_scoped3A = tpu.sem_alloc : memref<!tpu.dma_semaphore, #tpu.memory_space<semaphore_mem>>
        %dma_start3A_162 = arith.constant 0 : i32
        %dma_start3A_163 = arith.constant 0 : i32
        %dma_start3A_164 = tpu.memref_slice %arg7[%dma_start3A_162, %dma_start3A_163] : memref<10112x64xf32, #tpu.memory_space<vmem_shared>> -> memref<10112x64xf32, #tpu.memory_space<vmem_shared>>
        tpu.enqueue_indirect_dma source(%arg12 : memref<128x64xf32, #tpu.memory_space<vmem>>) target(%dma_start3A_164 : memref<10112x64xf32, #tpu.memory_space<vmem_shared>>) offsets(%arg10 : memref<128xi32, #tpu.memory_space<vmem>>) semaphore(%run_scoped3A : memref<!tpu.dma_semaphore, #tpu.memory_space<semaphore_mem>>) {add = true}
        %dma_wait3A_165 = arith.constant 0 : i32
        %dma_wait3A_166 = arith.constant 0 : i32
        %dma_wait3A_167 = tpu.memref_slice %arg7[%dma_wait3A_165, %dma_wait3A_166] : memref<10112x64xf32, #tpu.memory_space<vmem_shared>> -> memref<10112x64xf32, #tpu.memory_space<vmem_shared>>
        tpu.wait_indirect_dma semaphore(%run_scoped3A : memref<!tpu.dma_semaphore, #tpu.memory_space<semaphore_mem>>) src(%arg12 : memref<128x64xf32, #tpu.memory_space<vmem>>) dst(%dma_wait3A_167 : memref<10112x64xf32, #tpu.memory_space<vmem_shared>>)
        tpu.yield
      }) : () -> ()
      %add3A_128 = arith.constant 2 : i32
      %add3A_129 = arith.addi %add3A_97, %add3A_128 : i32
      %dma_start3A_130 = arith.constant 0 : i32
      %dma_start3A_131 = tpu.memref_slice %arg9[%add3A_129, %dma_start3A_130] : memref<158x128xi32, #tpu.memory_space<vmem>> -> memref<1x128xi32, #tpu.memory_space<vmem>>
      %dma_start3A_132 = tpu.memref_squeeze %dma_start3A_131 : memref<1x128xi32, #tpu.memory_space<vmem>> -> memref<128xi32, #tpu.memory_space<vmem>>
      %dma_start3A_133 = arith.constant 0 : i32
      %dma_start3A_134 = arith.constant 0 : i32
      %dma_start3A_135 = tpu.memref_slice %arg8[%dma_start3A_133, %dma_start3A_134] : memref<10112x64xf32, #tpu.memory_space<vmem_shared>> -> memref<10112x64xf32, #tpu.memory_space<vmem_shared>>
      tpu.enqueue_indirect_dma source(%dma_start3A_135 : memref<10112x64xf32, #tpu.memory_space<vmem_shared>>) target(%arg12 : memref<128x64xf32, #tpu.memory_space<vmem>>) offsets(%dma_start3A_132 : memref<128xi32, #tpu.memory_space<vmem>>) semaphore(%arg14 : memref<!tpu.dma_semaphore, #tpu.memory_space<semaphore_mem>>)
      %add3A_136 = arith.constant 2 : i32
      %add3A_137 = arith.addi %add3A_97, %add3A_136 : i32
      %add3A_138 = arith.addi %mul3A_2, %add3A_137 : i32
      %dma_start3A_139 = arith.constant 0 : i32
      %dma_start3A_140 = tpu.memref_slice %arg4[%add3A_138, %dma_start3A_139] : memref<2528x128xi32, #tpu.memory_space<hbm>> -> memref<1x128xi32, #tpu.memory_space<hbm>>
      %dma_start3A_141 = tpu.memref_squeeze %dma_start3A_140 : memref<1x128xi32, #tpu.memory_space<hbm>> -> memref<128xi32, #tpu.memory_space<hbm>>
      %dma_start3A_142 = arith.constant 0 : i32
      %dma_start3A_143 = tpu.memref_slice %arg4[%add3A_138, %dma_start3A_142] : memref<2528x128xi32, #tpu.memory_space<hbm>> -> memref<1x128xi32, #tpu.memory_space<hbm>>
      %dma_start3A_144 = tpu.memref_squeeze %dma_start3A_143 : memref<1x128xi32, #tpu.memory_space<hbm>> -> memref<128xi32, #tpu.memory_space<hbm>>
      tpu.enqueue_dma source(%dma_start3A_144 : memref<128xi32, #tpu.memory_space<hbm>>) target(%arg10 : memref<128xi32, #tpu.memory_space<vmem>>) target_semaphore(%arg16 : memref<!tpu.dma_semaphore, #tpu.memory_space<semaphore_mem>>)
      %add3A_145 = arith.constant 1 : i32
      %add3A_146 = arith.addi %add3A_97, %add3A_145 : i32
      %dma_wait3A_147 = arith.constant 0 : i32
      %dma_wait3A_148 = tpu.memref_slice %arg9[%add3A_146, %dma_wait3A_147] : memref<158x128xi32, #tpu.memory_space<vmem>> -> memref<1x128xi32, #tpu.memory_space<vmem>>
      %dma_wait3A_149 = tpu.memref_squeeze %dma_wait3A_148 : memref<1x128xi32, #tpu.memory_space<vmem>> -> memref<128xi32, #tpu.memory_space<vmem>>
      %dma_wait3A_150 = arith.constant 0 : i32
      %dma_wait3A_151 = arith.constant 0 : i32
      %dma_wait3A_152 = tpu.memref_slice %arg8[%dma_wait3A_150, %dma_wait3A_151] : memref<10112x64xf32, #tpu.memory_space<vmem_shared>> -> memref<10112x64xf32, #tpu.memory_space<vmem_shared>>
      tpu.wait_indirect_dma semaphore(%arg15 : memref<!tpu.dma_semaphore, #tpu.memory_space<semaphore_mem>>) src(%dma_wait3A_152 : memref<10112x64xf32, #tpu.memory_space<vmem_shared>>) dst(%arg13 : memref<128x64xf32, #tpu.memory_space<vmem>>)
      %add3A_153 = arith.constant 1 : i32
      %add3A_154 = arith.addi %add3A_97, %add3A_153 : i32
      %add3A_155 = arith.addi %mul3A_2, %add3A_154 : i32
      %dma_wait3A_156 = arith.constant 0 : i32
      %dma_wait3A_157 = tpu.memref_slice %arg4[%add3A_155, %dma_wait3A_156] : memref<2528x128xi32, #tpu.memory_space<hbm>> -> memref<1x128xi32, #tpu.memory_space<hbm>>
      %dma_wait3A_158 = tpu.memref_squeeze %dma_wait3A_157 : memref<1x128xi32, #tpu.memory_space<hbm>> -> memref<128xi32, #tpu.memory_space<hbm>>
      %dma_wait3A_159 = arith.constant 0 : i32
      %dma_wait3A_160 = tpu.memref_slice %arg4[%add3A_155, %dma_wait3A_159] : memref<2528x128xi32, #tpu.memory_space<hbm>> -> memref<1x128xi32, #tpu.memory_space<hbm>>
      %dma_wait3A_161 = tpu.memref_squeeze %dma_wait3A_160 : memref<1x128xi32, #tpu.memory_space<hbm>> -> memref<128xi32, #tpu.memory_space<hbm>>
      tpu.wait_dma2 semaphore(%arg17 : memref<!tpu.dma_semaphore, #tpu.memory_space<semaphore_mem>>) src(%dma_wait3A_161 : memref<128xi32, #tpu.memory_space<hbm>>) dst(%arg11 : memref<128xi32, #tpu.memory_space<vmem>>)
      "tpu.region"() ({
        %run_scoped3A = tpu.sem_alloc : memref<!tpu.dma_semaphore, #tpu.memory_space<semaphore_mem>>
        %dma_start3A_162 = arith.constant 0 : i32
        %dma_start3A_163 = arith.constant 0 : i32
        %dma_start3A_164 = tpu.memref_slice %arg7[%dma_start3A_162, %dma_start3A_163] : memref<10112x64xf32, #tpu.memory_space<vmem_shared>> -> memref<10112x64xf32, #tpu.memory_space<vmem_shared>>
        tpu.enqueue_indirect_dma source(%arg13 : memref<128x64xf32, #tpu.memory_space<vmem>>) target(%dma_start3A_164 : memref<10112x64xf32, #tpu.memory_space<vmem_shared>>) offsets(%arg11 : memref<128xi32, #tpu.memory_space<vmem>>) semaphore(%run_scoped3A : memref<!tpu.dma_semaphore, #tpu.memory_space<semaphore_mem>>) {add = true}
        %dma_wait3A_165 = arith.constant 0 : i32
        %dma_wait3A_166 = arith.constant 0 : i32
        %dma_wait3A_167 = tpu.memref_slice %arg7[%dma_wait3A_165, %dma_wait3A_166] : memref<10112x64xf32, #tpu.memory_space<vmem_shared>> -> memref<10112x64xf32, #tpu.memory_space<vmem_shared>>
        tpu.wait_indirect_dma semaphore(%run_scoped3A : memref<!tpu.dma_semaphore, #tpu.memory_space<semaphore_mem>>) src(%arg13 : memref<128x64xf32, #tpu.memory_space<vmem>>) dst(%dma_wait3A_167 : memref<10112x64xf32, #tpu.memory_space<vmem_shared>>)
        tpu.yield
      }) : () -> ()
    }
    %scan3A_46 = arith.constant 78 : i32
    %dma_start3A_47 = arith.constant 157 : i32
    %dma_start3A_48 = arith.constant 0 : i32
    %dma_start3A_49 = tpu.memref_slice %arg9[%dma_start3A_47, %dma_start3A_48] : memref<158x128xi32, #tpu.memory_space<vmem>> -> memref<1x128xi32, #tpu.memory_space<vmem>>
    %dma_start3A_50 = tpu.memref_squeeze %dma_start3A_49 : memref<1x128xi32, #tpu.memory_space<vmem>> -> memref<128xi32, #tpu.memory_space<vmem>>
    %dma_start3A_51 = arith.constant 0 : i32
    %dma_start3A_52 = arith.constant 0 : i32
    %dma_start3A_53 = tpu.memref_slice %arg8[%dma_start3A_51, %dma_start3A_52] : memref<10112x64xf32, #tpu.memory_space<vmem_shared>> -> memref<10112x64xf32, #tpu.memory_space<vmem_shared>>
    tpu.enqueue_indirect_dma source(%dma_start3A_53 : memref<10112x64xf32, #tpu.memory_space<vmem_shared>>) target(%arg13 : memref<128x64xf32, #tpu.memory_space<vmem>>) offsets(%dma_start3A_50 : memref<128xi32, #tpu.memory_space<vmem>>) semaphore(%arg15 : memref<!tpu.dma_semaphore, #tpu.memory_space<semaphore_mem>>)
    %add3A_54 = arith.constant 157 : i32
    %add3A_55 = arith.addi %mul3A_2, %add3A_54 : i32
    %dma_start3A_56 = arith.constant 0 : i32
    %dma_start3A_57 = tpu.memref_slice %arg4[%add3A_55, %dma_start3A_56] : memref<2528x128xi32, #tpu.memory_space<hbm>> -> memref<1x128xi32, #tpu.memory_space<hbm>>
    %dma_start3A_58 = tpu.memref_squeeze %dma_start3A_57 : memref<1x128xi32, #tpu.memory_space<hbm>> -> memref<128xi32, #tpu.memory_space<hbm>>
    %dma_start3A_59 = arith.constant 0 : i32
    %dma_start3A_60 = tpu.memref_slice %arg4[%add3A_55, %dma_start3A_59] : memref<2528x128xi32, #tpu.memory_space<hbm>> -> memref<1x128xi32, #tpu.memory_space<hbm>>
    %dma_start3A_61 = tpu.memref_squeeze %dma_start3A_60 : memref<1x128xi32, #tpu.memory_space<hbm>> -> memref<128xi32, #tpu.memory_space<hbm>>
    tpu.enqueue_dma source(%dma_start3A_61 : memref<128xi32, #tpu.memory_space<hbm>>) target(%arg11 : memref<128xi32, #tpu.memory_space<vmem>>) target_semaphore(%arg17 : memref<!tpu.dma_semaphore, #tpu.memory_space<semaphore_mem>>)
    %dma_wait3A_62 = arith.constant 156 : i32
    %dma_wait3A_63 = arith.constant 0 : i32
    %dma_wait3A_64 = tpu.memref_slice %arg9[%dma_wait3A_62, %dma_wait3A_63] : memref<158x128xi32, #tpu.memory_space<vmem>> -> memref<1x128xi32, #tpu.memory_space<vmem>>
    %dma_wait3A_65 = tpu.memref_squeeze %dma_wait3A_64 : memref<1x128xi32, #tpu.memory_space<vmem>> -> memref<128xi32, #tpu.memory_space<vmem>>
    %dma_wait3A_66 = arith.constant 0 : i32
    %dma_wait3A_67 = arith.constant 0 : i32
    %dma_wait3A_68 = tpu.memref_slice %arg8[%dma_wait3A_66, %dma_wait3A_67] : memref<10112x64xf32, #tpu.memory_space<vmem_shared>> -> memref<10112x64xf32, #tpu.memory_space<vmem_shared>>
    tpu.wait_indirect_dma semaphore(%arg14 : memref<!tpu.dma_semaphore, #tpu.memory_space<semaphore_mem>>) src(%dma_wait3A_68 : memref<10112x64xf32, #tpu.memory_space<vmem_shared>>) dst(%arg12 : memref<128x64xf32, #tpu.memory_space<vmem>>)
    %add3A_69 = arith.constant 156 : i32
    %add3A_70 = arith.addi %mul3A_2, %add3A_69 : i32
    %dma_wait3A_71 = arith.constant 0 : i32
    %dma_wait3A_72 = tpu.memref_slice %arg4[%add3A_70, %dma_wait3A_71] : memref<2528x128xi32, #tpu.memory_space<hbm>> -> memref<1x128xi32, #tpu.memory_space<hbm>>
    %dma_wait3A_73 = tpu.memref_squeeze %dma_wait3A_72 : memref<1x128xi32, #tpu.memory_space<hbm>> -> memref<128xi32, #tpu.memory_space<hbm>>
    %dma_wait3A_74 = arith.constant 0 : i32
    %dma_wait3A_75 = tpu.memref_slice %arg4[%add3A_70, %dma_wait3A_74] : memref<2528x128xi32, #tpu.memory_space<hbm>> -> memref<1x128xi32, #tpu.memory_space<hbm>>
    %dma_wait3A_76 = tpu.memref_squeeze %dma_wait3A_75 : memref<1x128xi32, #tpu.memory_space<hbm>> -> memref<128xi32, #tpu.memory_space<hbm>>
    tpu.wait_dma2 semaphore(%arg16 : memref<!tpu.dma_semaphore, #tpu.memory_space<semaphore_mem>>) src(%dma_wait3A_76 : memref<128xi32, #tpu.memory_space<hbm>>) dst(%arg10 : memref<128xi32, #tpu.memory_space<vmem>>)
    "tpu.region"() ({
      %run_scoped3A = tpu.sem_alloc : memref<!tpu.dma_semaphore, #tpu.memory_space<semaphore_mem>>
      %dma_start3A_93 = arith.constant 0 : i32
      %dma_start3A_94 = arith.constant 0 : i32
      %dma_start3A_95 = tpu.memref_slice %arg7[%dma_start3A_93, %dma_start3A_94] : memref<10112x64xf32, #tpu.memory_space<vmem_shared>> -> memref<10112x64xf32, #tpu.memory_space<vmem_shared>>
      tpu.enqueue_indirect_dma source(%arg12 : memref<128x64xf32, #tpu.memory_space<vmem>>) target(%dma_start3A_95 : memref<10112x64xf32, #tpu.memory_space<vmem_shared>>) offsets(%arg10 : memref<128xi32, #tpu.memory_space<vmem>>) semaphore(%run_scoped3A : memref<!tpu.dma_semaphore, #tpu.memory_space<semaphore_mem>>) {add = true}
      %dma_wait3A_96 = arith.constant 0 : i32
      %dma_wait3A_97 = arith.constant 0 : i32
      %dma_wait3A_98 = tpu.memref_slice %arg7[%dma_wait3A_96, %dma_wait3A_97] : memref<10112x64xf32, #tpu.memory_space<vmem_shared>> -> memref<10112x64xf32, #tpu.memory_space<vmem_shared>>
      tpu.wait_indirect_dma semaphore(%run_scoped3A : memref<!tpu.dma_semaphore, #tpu.memory_space<semaphore_mem>>) src(%arg12 : memref<128x64xf32, #tpu.memory_space<vmem>>) dst(%dma_wait3A_98 : memref<10112x64xf32, #tpu.memory_space<vmem_shared>>)
      tpu.yield
    }) : () -> ()
    %dma_wait3A_77 = arith.constant 157 : i32
    %dma_wait3A_78 = arith.constant 0 : i32
    %dma_wait3A_79 = tpu.memref_slice %arg9[%dma_wait3A_77, %dma_wait3A_78] : memref<158x128xi32, #tpu.memory_space<vmem>> -> memref<1x128xi32, #tpu.memory_space<vmem>>
    %dma_wait3A_80 = tpu.memref_squeeze %dma_wait3A_79 : memref<1x128xi32, #tpu.memory_space<vmem>> -> memref<128xi32, #tpu.memory_space<vmem>>
    %dma_wait3A_81 = arith.constant 0 : i32
    %dma_wait3A_82 = arith.constant 0 : i32
    %dma_wait3A_83 = tpu.memref_slice %arg8[%dma_wait3A_81, %dma_wait3A_82] : memref<10112x64xf32, #tpu.memory_space<vmem_shared>> -> memref<10112x64xf32, #tpu.memory_space<vmem_shared>>
    tpu.wait_indirect_dma semaphore(%arg15 : memref<!tpu.dma_semaphore, #tpu.memory_space<semaphore_mem>>) src(%dma_wait3A_83 : memref<10112x64xf32, #tpu.memory_space<vmem_shared>>) dst(%arg13 : memref<128x64xf32, #tpu.memory_space<vmem>>)
    %add3A_84 = arith.constant 157 : i32
    %add3A_85 = arith.addi %mul3A_2, %add3A_84 : i32
    %dma_wait3A_86 = arith.constant 0 : i32
    %dma_wait3A_87 = tpu.memref_slice %arg4[%add3A_85, %dma_wait3A_86] : memref<2528x128xi32, #tpu.memory_space<hbm>> -> memref<1x128xi32, #tpu.memory_space<hbm>>
    %dma_wait3A_88 = tpu.memref_squeeze %dma_wait3A_87 : memref<1x128xi32, #tpu.memory_space<hbm>> -> memref<128xi32, #tpu.memory_space<hbm>>
    %dma_wait3A_89 = arith.constant 0 : i32
    %dma_wait3A_90 = tpu.memref_slice %arg4[%add3A_85, %dma_wait3A_89] : memref<2528x128xi32, #tpu.memory_space<hbm>> -> memref<1x128xi32, #tpu.memory_space<hbm>>
    %dma_wait3A_91 = tpu.memref_squeeze %dma_wait3A_90 : memref<1x128xi32, #tpu.memory_space<hbm>> -> memref<128xi32, #tpu.memory_space<hbm>>
    tpu.wait_dma2 semaphore(%arg17 : memref<!tpu.dma_semaphore, #tpu.memory_space<semaphore_mem>>) src(%dma_wait3A_91 : memref<128xi32, #tpu.memory_space<hbm>>) dst(%arg11 : memref<128xi32, #tpu.memory_space<vmem>>)
    "tpu.region"() ({
      %run_scoped3A = tpu.sem_alloc : memref<!tpu.dma_semaphore, #tpu.memory_space<semaphore_mem>>
      %dma_start3A_93 = arith.constant 0 : i32
      %dma_start3A_94 = arith.constant 0 : i32
      %dma_start3A_95 = tpu.memref_slice %arg7[%dma_start3A_93, %dma_start3A_94] : memref<10112x64xf32, #tpu.memory_space<vmem_shared>> -> memref<10112x64xf32, #tpu.memory_space<vmem_shared>>
      tpu.enqueue_indirect_dma source(%arg13 : memref<128x64xf32, #tpu.memory_space<vmem>>) target(%dma_start3A_95 : memref<10112x64xf32, #tpu.memory_space<vmem_shared>>) offsets(%arg11 : memref<128xi32, #tpu.memory_space<vmem>>) semaphore(%run_scoped3A : memref<!tpu.dma_semaphore, #tpu.memory_space<semaphore_mem>>) {add = true}
      %dma_wait3A_96 = arith.constant 0 : i32
      %dma_wait3A_97 = arith.constant 0 : i32
      %dma_wait3A_98 = tpu.memref_slice %arg7[%dma_wait3A_96, %dma_wait3A_97] : memref<10112x64xf32, #tpu.memory_space<vmem_shared>> -> memref<10112x64xf32, #tpu.memory_space<vmem_shared>>
      tpu.wait_indirect_dma semaphore(%run_scoped3A : memref<!tpu.dma_semaphore, #tpu.memory_space<semaphore_mem>>) src(%arg13 : memref<128x64xf32, #tpu.memory_space<vmem>>) dst(%dma_wait3A_98 : memref<10112x64xf32, #tpu.memory_space<vmem_shared>>)
      tpu.yield
    }) : () -> ()
    %barrier3A_92 = arith.constant 0 : index
    tpu.barrier barrier_id(%barrier3A_92)
    "tpu.region"() ({
      %run_scoped3A = tpu.sem_alloc : memref<!tpu.dma_semaphore, #tpu.memory_space<semaphore_mem>>
      %dma_start3A_93 = arith.constant 0 : i32
      %dma_start3A_94 = arith.constant 0 : i32
      %dma_start3A_95 = tpu.memref_slice %arg6[%arg0, %dma_start3A_93, %dma_start3A_94] : memref<2x10112x64xf32, #tpu.memory_space<hbm>> -> memref<1x10112x64xf32, #tpu.memory_space<hbm>>
      %dma_start3A_96 = tpu.memref_squeeze %dma_start3A_95 : memref<1x10112x64xf32, #tpu.memory_space<hbm>> -> memref<10112x64xf32, #tpu.memory_space<hbm>>
      %dma_start3A_97 = arith.constant 0 : i32
      %dma_start3A_98 = tpu.memref_slice %dma_start3A_96[%mul3A_0, %dma_start3A_97] : memref<10112x64xf32, #tpu.memory_space<hbm>> -> memref<632x64xf32, #tpu.memory_space<hbm>>
      %dma_start3A_99 = arith.constant 0 : i32
      %dma_start3A_100 = tpu.memref_slice %arg7[%mul3A_0, %dma_start3A_99] : memref<10112x64xf32, #tpu.memory_space<vmem_shared>> -> memref<632x64xf32, #tpu.memory_space<vmem_shared>>
      tpu.enqueue_dma source(%dma_start3A_100 : memref<632x64xf32, #tpu.memory_space<vmem_shared>>) target(%dma_start3A_98 : memref<632x64xf32, #tpu.memory_space<hbm>>) target_semaphore(%run_scoped3A : memref<!tpu.dma_semaphore, #tpu.memory_space<semaphore_mem>>)
      %dma_wait3A_101 = arith.constant 0 : i32
      %dma_wait3A_102 = arith.constant 0 : i32
      %dma_wait3A_103 = tpu.memref_slice %arg6[%arg0, %dma_wait3A_101, %dma_wait3A_102] : memref<2x10112x64xf32, #tpu.memory_space<hbm>> -> memref<1x10112x64xf32, #tpu.memory_space<hbm>>
      %dma_wait3A_104 = tpu.memref_squeeze %dma_wait3A_103 : memref<1x10112x64xf32, #tpu.memory_space<hbm>> -> memref<10112x64xf32, #tpu.memory_space<hbm>>
      %dma_wait3A_105 = arith.constant 0 : i32
      %dma_wait3A_106 = tpu.memref_slice %dma_wait3A_104[%mul3A_0, %dma_wait3A_105] : memref<10112x64xf32, #tpu.memory_space<hbm>> -> memref<632x64xf32, #tpu.memory_space<hbm>>
      %dma_wait3A_107 = arith.constant 0 : i32
      %dma_wait3A_108 = tpu.memref_slice %arg7[%mul3A_0, %dma_wait3A_107] : memref<10112x64xf32, #tpu.memory_space<vmem_shared>> -> memref<632x64xf32, #tpu.memory_space<vmem_shared>>
      tpu.wait_dma2 semaphore(%run_scoped3A : memref<!tpu.dma_semaphore, #tpu.memory_space<semaphore_mem>>) src(%dma_wait3A_108 : memref<632x64xf32, #tpu.memory_space<vmem_shared>>) dst(%dma_wait3A_106 : memref<632x64xf32, #tpu.memory_space<hbm>>)
      tpu.yield
    }) : () -> ()
    return
  }
}

#map = affine_map<(d0, d1) -> (0, 0)>
#map1 = affine_map<(d0, d1) -> (0, 0, 0)>
module attributes {stable_mosaic.version = 14 : i64} {
  func.func @deg_kernel(%arg0: i32, %arg1: i32, %arg2: memref<2528x128xi32, #tpu.memory_space<hbm>>, %arg3: memref<128x16xf32, #tpu.memory_space<hbm>>, %arg4: memref<632x16xf32, #tpu.memory_space<hbm>>, %arg5: memref<2x10112x16xf32, #tpu.memory_space<hbm>>, %arg6: memref<10112x16xf32, #tpu.memory_space<vmem_shared>>, %arg7: memref<79x128xi32, #tpu.memory_space<vmem>>, %arg8: memref<128x16xf32, #tpu.memory_space<vmem>>, %arg9: memref<!tpu.dma_semaphore, #tpu.memory_space<semaphore_mem>>, %arg10: memref<!tpu.dma_semaphore, #tpu.memory_space<semaphore_mem>>) attributes {dimension_semantics = [#tpu.dimension_semantics<core_parallel>, #tpu.dimension_semantics<subcore_parallel>], iteration_bounds = array<i64: 2, 16>, scalar_prefetch = 0 : i64, scratch_operands = 5 : i64, tpu.core_type = #tpu.core_type<sc_vector_subcore>, window_params = [{transform_indices = #map}, {transform_indices = #map}, {transform_indices = #map}, {transform_indices = #map1}]} {
    %mul3A = arith.constant 16 : i32
    %mul3A_0 = arith.muli %arg0, %mul3A : i32
    %add3A = arith.addi %mul3A_0, %arg1 : i32
    %mul3A_1 = arith.constant 632 : i32
    %mul3A_2 = arith.muli %arg1, %mul3A_1 : i32
    %mul3A_3 = arith.constant 79 : i32
    %mul3A_4 = arith.muli %add3A, %mul3A_3 : i32
    %dma_start3A = arith.constant 0 : i32
    %dma_start3A_5 = tpu.memref_slice %arg6[%mul3A_2, %dma_start3A] : memref<10112x16xf32, #tpu.memory_space<vmem_shared>> -> memref<632x16xf32, #tpu.memory_space<vmem_shared>>
    tpu.enqueue_dma source(%arg4 : memref<632x16xf32, #tpu.memory_space<hbm>>) target(%dma_start3A_5 : memref<632x16xf32, #tpu.memory_space<vmem_shared>>) target_semaphore(%arg9 : memref<!tpu.dma_semaphore, #tpu.memory_space<semaphore_mem>>)
    tpu.enqueue_dma source(%arg3 : memref<128x16xf32, #tpu.memory_space<hbm>>) target(%arg8 : memref<128x16xf32, #tpu.memory_space<vmem>>) target_semaphore(%arg10 : memref<!tpu.dma_semaphore, #tpu.memory_space<semaphore_mem>>)
    %dma_start3A_6 = arith.constant 0 : i32
    %dma_start3A_7 = tpu.memref_slice %arg2[%mul3A_4, %dma_start3A_6] : memref<2528x128xi32, #tpu.memory_space<hbm>> -> memref<79x128xi32, #tpu.memory_space<hbm>>
    %dma_start3A_8 = arith.constant 0 : i32
    %dma_start3A_9 = tpu.memref_slice %arg2[%mul3A_4, %dma_start3A_8] : memref<2528x128xi32, #tpu.memory_space<hbm>> -> memref<79x128xi32, #tpu.memory_space<hbm>>
    tpu.enqueue_dma source(%dma_start3A_9 : memref<79x128xi32, #tpu.memory_space<hbm>>) target(%arg7 : memref<79x128xi32, #tpu.memory_space<vmem>>) target_semaphore(%arg9 : memref<!tpu.dma_semaphore, #tpu.memory_space<semaphore_mem>>)
    %dma_wait3A = arith.constant 0 : i32
    %dma_wait3A_10 = tpu.memref_slice %arg6[%mul3A_2, %dma_wait3A] : memref<10112x16xf32, #tpu.memory_space<vmem_shared>> -> memref<632x16xf32, #tpu.memory_space<vmem_shared>>
    tpu.wait_dma2 semaphore(%arg9 : memref<!tpu.dma_semaphore, #tpu.memory_space<semaphore_mem>>) src(%arg4 : memref<632x16xf32, #tpu.memory_space<hbm>>) dst(%dma_wait3A_10 : memref<632x16xf32, #tpu.memory_space<vmem_shared>>)
    tpu.wait_dma2 semaphore(%arg10 : memref<!tpu.dma_semaphore, #tpu.memory_space<semaphore_mem>>) src(%arg3 : memref<128x16xf32, #tpu.memory_space<hbm>>) dst(%arg8 : memref<128x16xf32, #tpu.memory_space<vmem>>)
    %dma_wait3A_11 = arith.constant 0 : i32
    %dma_wait3A_12 = tpu.memref_slice %arg2[%mul3A_4, %dma_wait3A_11] : memref<2528x128xi32, #tpu.memory_space<hbm>> -> memref<79x128xi32, #tpu.memory_space<hbm>>
    %dma_wait3A_13 = arith.constant 0 : i32
    %dma_wait3A_14 = tpu.memref_slice %arg2[%mul3A_4, %dma_wait3A_13] : memref<2528x128xi32, #tpu.memory_space<hbm>> -> memref<79x128xi32, #tpu.memory_space<hbm>>
    tpu.wait_dma2 semaphore(%arg9 : memref<!tpu.dma_semaphore, #tpu.memory_space<semaphore_mem>>) src(%dma_wait3A_14 : memref<79x128xi32, #tpu.memory_space<hbm>>) dst(%arg7 : memref<79x128xi32, #tpu.memory_space<vmem>>)
    %barrier3A = arith.constant 0 : index
    tpu.barrier barrier_id(%barrier3A)
    %dma_start3A_15 = arith.constant 0 : i32
    %dma_start3A_16 = arith.constant 0 : i32
    %dma_start3A_17 = tpu.memref_slice %arg7[%dma_start3A_15, %dma_start3A_16] : memref<79x128xi32, #tpu.memory_space<vmem>> -> memref<1x128xi32, #tpu.memory_space<vmem>>
    %dma_start3A_18 = tpu.memref_squeeze %dma_start3A_17 : memref<1x128xi32, #tpu.memory_space<vmem>> -> memref<128xi32, #tpu.memory_space<vmem>>
    %dma_start3A_19 = arith.constant 0 : i32
    %dma_start3A_20 = arith.constant 0 : i32
    %dma_start3A_21 = tpu.memref_slice %arg6[%dma_start3A_19, %dma_start3A_20] : memref<10112x16xf32, #tpu.memory_space<vmem_shared>> -> memref<10112x16xf32, #tpu.memory_space<vmem_shared>>
    tpu.enqueue_indirect_dma source(%arg8 : memref<128x16xf32, #tpu.memory_space<vmem>>) target(%dma_start3A_21 : memref<10112x16xf32, #tpu.memory_space<vmem_shared>>) offsets(%dma_start3A_18 : memref<128xi32, #tpu.memory_space<vmem>>) semaphore(%arg9 : memref<!tpu.dma_semaphore, #tpu.memory_space<semaphore_mem>>) {add = true}
    %dma_start3A_22 = arith.constant 1 : i32
    %dma_start3A_23 = arith.constant 0 : i32
    %dma_start3A_24 = tpu.memref_slice %arg7[%dma_start3A_22, %dma_start3A_23] : memref<79x128xi32, #tpu.memory_space<vmem>> -> memref<1x128xi32, #tpu.memory_space<vmem>>
    %dma_start3A_25 = tpu.memref_squeeze %dma_start3A_24 : memref<1x128xi32, #tpu.memory_space<vmem>> -> memref<128xi32, #tpu.memory_space<vmem>>
    %dma_start3A_26 = arith.constant 0 : i32
    %dma_start3A_27 = arith.constant 0 : i32
    %dma_start3A_28 = tpu.memref_slice %arg6[%dma_start3A_26, %dma_start3A_27] : memref<10112x16xf32, #tpu.memory_space<vmem_shared>> -> memref<10112x16xf32, #tpu.memory_space<vmem_shared>>
    tpu.enqueue_indirect_dma source(%arg8 : memref<128x16xf32, #tpu.memory_space<vmem>>) target(%dma_start3A_28 : memref<10112x16xf32, #tpu.memory_space<vmem_shared>>) offsets(%dma_start3A_25 : memref<128xi32, #tpu.memory_space<vmem>>) semaphore(%arg10 : memref<!tpu.dma_semaphore, #tpu.memory_space<semaphore_mem>>) {add = true}
    %scan3A = arith.constant 0 : i32
    %scan3A_29 = arith.constant 38 : i32
    %scan3A_30 = arith.addi %scan3A, %scan3A_29 : i32
    %scan3A_31 = arith.constant 1 : i32
    scf.for %scan3A_64 = %scan3A to %scan3A_30 step %scan3A_31  : i32 {
      %mul3A_65 = arith.constant 2 : i32
      %mul3A_66 = arith.muli %scan3A_64, %mul3A_65 : i32
      %add3A_67 = arith.constant 2 : i32
      %add3A_68 = arith.addi %add3A_67, %mul3A_66 : i32
      %sub3A = arith.constant 2 : i32
      %sub3A_69 = arith.subi %add3A_68, %sub3A : i32
      %dma_wait3A_70 = arith.constant 0 : i32
      %dma_wait3A_71 = tpu.memref_slice %arg7[%sub3A_69, %dma_wait3A_70] : memref<79x128xi32, #tpu.memory_space<vmem>> -> memref<1x128xi32, #tpu.memory_space<vmem>>
      %dma_wait3A_72 = tpu.memref_squeeze %dma_wait3A_71 : memref<1x128xi32, #tpu.memory_space<vmem>> -> memref<128xi32, #tpu.memory_space<vmem>>
      %dma_wait3A_73 = arith.constant 0 : i32
      %dma_wait3A_74 = arith.constant 0 : i32
      %dma_wait3A_75 = tpu.memref_slice %arg6[%dma_wait3A_73, %dma_wait3A_74] : memref<10112x16xf32, #tpu.memory_space<vmem_shared>> -> memref<10112x16xf32, #tpu.memory_space<vmem_shared>>
      tpu.wait_indirect_dma semaphore(%arg9 : memref<!tpu.dma_semaphore, #tpu.memory_space<semaphore_mem>>) src(%arg8 : memref<128x16xf32, #tpu.memory_space<vmem>>) dst(%dma_wait3A_75 : memref<10112x16xf32, #tpu.memory_space<vmem_shared>>)
      %dma_start3A_76 = arith.constant 0 : i32
      %dma_start3A_77 = tpu.memref_slice %arg7[%add3A_68, %dma_start3A_76] : memref<79x128xi32, #tpu.memory_space<vmem>> -> memref<1x128xi32, #tpu.memory_space<vmem>>
      %dma_start3A_78 = tpu.memref_squeeze %dma_start3A_77 : memref<1x128xi32, #tpu.memory_space<vmem>> -> memref<128xi32, #tpu.memory_space<vmem>>
      %dma_start3A_79 = arith.constant 0 : i32
      %dma_start3A_80 = arith.constant 0 : i32
      %dma_start3A_81 = tpu.memref_slice %arg6[%dma_start3A_79, %dma_start3A_80] : memref<10112x16xf32, #tpu.memory_space<vmem_shared>> -> memref<10112x16xf32, #tpu.memory_space<vmem_shared>>
      tpu.enqueue_indirect_dma source(%arg8 : memref<128x16xf32, #tpu.memory_space<vmem>>) target(%dma_start3A_81 : memref<10112x16xf32, #tpu.memory_space<vmem_shared>>) offsets(%dma_start3A_78 : memref<128xi32, #tpu.memory_space<vmem>>) semaphore(%arg9 : memref<!tpu.dma_semaphore, #tpu.memory_space<semaphore_mem>>) {add = true}
      %sub3A_82 = arith.constant 1 : i32
      %sub3A_83 = arith.subi %add3A_68, %sub3A_82 : i32
      %dma_wait3A_84 = arith.constant 0 : i32
      %dma_wait3A_85 = tpu.memref_slice %arg7[%sub3A_83, %dma_wait3A_84] : memref<79x128xi32, #tpu.memory_space<vmem>> -> memref<1x128xi32, #tpu.memory_space<vmem>>
      %dma_wait3A_86 = tpu.memref_squeeze %dma_wait3A_85 : memref<1x128xi32, #tpu.memory_space<vmem>> -> memref<128xi32, #tpu.memory_space<vmem>>
      %dma_wait3A_87 = arith.constant 0 : i32
      %dma_wait3A_88 = arith.constant 0 : i32
      %dma_wait3A_89 = tpu.memref_slice %arg6[%dma_wait3A_87, %dma_wait3A_88] : memref<10112x16xf32, #tpu.memory_space<vmem_shared>> -> memref<10112x16xf32, #tpu.memory_space<vmem_shared>>
      tpu.wait_indirect_dma semaphore(%arg10 : memref<!tpu.dma_semaphore, #tpu.memory_space<semaphore_mem>>) src(%arg8 : memref<128x16xf32, #tpu.memory_space<vmem>>) dst(%dma_wait3A_89 : memref<10112x16xf32, #tpu.memory_space<vmem_shared>>)
      %add3A_90 = arith.constant 1 : i32
      %add3A_91 = arith.addi %add3A_68, %add3A_90 : i32
      %dma_start3A_92 = arith.constant 0 : i32
      %dma_start3A_93 = tpu.memref_slice %arg7[%add3A_91, %dma_start3A_92] : memref<79x128xi32, #tpu.memory_space<vmem>> -> memref<1x128xi32, #tpu.memory_space<vmem>>
      %dma_start3A_94 = tpu.memref_squeeze %dma_start3A_93 : memref<1x128xi32, #tpu.memory_space<vmem>> -> memref<128xi32, #tpu.memory_space<vmem>>
      %dma_start3A_95 = arith.constant 0 : i32
      %dma_start3A_96 = arith.constant 0 : i32
      %dma_start3A_97 = tpu.memref_slice %arg6[%dma_start3A_95, %dma_start3A_96] : memref<10112x16xf32, #tpu.memory_space<vmem_shared>> -> memref<10112x16xf32, #tpu.memory_space<vmem_shared>>
      tpu.enqueue_indirect_dma source(%arg8 : memref<128x16xf32, #tpu.memory_space<vmem>>) target(%dma_start3A_97 : memref<10112x16xf32, #tpu.memory_space<vmem_shared>>) offsets(%dma_start3A_94 : memref<128xi32, #tpu.memory_space<vmem>>) semaphore(%arg10 : memref<!tpu.dma_semaphore, #tpu.memory_space<semaphore_mem>>) {add = true}
    }
    %scan3A_32 = arith.constant 38 : i32
    %dma_wait3A_33 = arith.constant 76 : i32
    %dma_wait3A_34 = arith.constant 0 : i32
    %dma_wait3A_35 = tpu.memref_slice %arg7[%dma_wait3A_33, %dma_wait3A_34] : memref<79x128xi32, #tpu.memory_space<vmem>> -> memref<1x128xi32, #tpu.memory_space<vmem>>
    %dma_wait3A_36 = tpu.memref_squeeze %dma_wait3A_35 : memref<1x128xi32, #tpu.memory_space<vmem>> -> memref<128xi32, #tpu.memory_space<vmem>>
    %dma_wait3A_37 = arith.constant 0 : i32
    %dma_wait3A_38 = arith.constant 0 : i32
    %dma_wait3A_39 = tpu.memref_slice %arg6[%dma_wait3A_37, %dma_wait3A_38] : memref<10112x16xf32, #tpu.memory_space<vmem_shared>> -> memref<10112x16xf32, #tpu.memory_space<vmem_shared>>
    tpu.wait_indirect_dma semaphore(%arg9 : memref<!tpu.dma_semaphore, #tpu.memory_space<semaphore_mem>>) src(%arg8 : memref<128x16xf32, #tpu.memory_space<vmem>>) dst(%dma_wait3A_39 : memref<10112x16xf32, #tpu.memory_space<vmem_shared>>)
    %dma_start3A_40 = arith.constant 78 : i32
    %dma_start3A_41 = arith.constant 0 : i32
    %dma_start3A_42 = tpu.memref_slice %arg7[%dma_start3A_40, %dma_start3A_41] : memref<79x128xi32, #tpu.memory_space<vmem>> -> memref<1x128xi32, #tpu.memory_space<vmem>>
    %dma_start3A_43 = tpu.memref_squeeze %dma_start3A_42 : memref<1x128xi32, #tpu.memory_space<vmem>> -> memref<128xi32, #tpu.memory_space<vmem>>
    %dma_start3A_44 = arith.constant 0 : i32
    %dma_start3A_45 = arith.constant 0 : i32
    %dma_start3A_46 = tpu.memref_slice %arg6[%dma_start3A_44, %dma_start3A_45] : memref<10112x16xf32, #tpu.memory_space<vmem_shared>> -> memref<10112x16xf32, #tpu.memory_space<vmem_shared>>
    tpu.enqueue_indirect_dma source(%arg8 : memref<128x16xf32, #tpu.memory_space<vmem>>) target(%dma_start3A_46 : memref<10112x16xf32, #tpu.memory_space<vmem_shared>>) offsets(%dma_start3A_43 : memref<128xi32, #tpu.memory_space<vmem>>) semaphore(%arg9 : memref<!tpu.dma_semaphore, #tpu.memory_space<semaphore_mem>>) {add = true}
    %dma_wait3A_47 = arith.constant 77 : i32
    %dma_wait3A_48 = arith.constant 0 : i32
    %dma_wait3A_49 = tpu.memref_slice %arg7[%dma_wait3A_47, %dma_wait3A_48] : memref<79x128xi32, #tpu.memory_space<vmem>> -> memref<1x128xi32, #tpu.memory_space<vmem>>
    %dma_wait3A_50 = tpu.memref_squeeze %dma_wait3A_49 : memref<1x128xi32, #tpu.memory_space<vmem>> -> memref<128xi32, #tpu.memory_space<vmem>>
    %dma_wait3A_51 = arith.constant 0 : i32
    %dma_wait3A_52 = arith.constant 0 : i32
    %dma_wait3A_53 = tpu.memref_slice %arg6[%dma_wait3A_51, %dma_wait3A_52] : memref<10112x16xf32, #tpu.memory_space<vmem_shared>> -> memref<10112x16xf32, #tpu.memory_space<vmem_shared>>
    tpu.wait_indirect_dma semaphore(%arg10 : memref<!tpu.dma_semaphore, #tpu.memory_space<semaphore_mem>>) src(%arg8 : memref<128x16xf32, #tpu.memory_space<vmem>>) dst(%dma_wait3A_53 : memref<10112x16xf32, #tpu.memory_space<vmem_shared>>)
    %dma_wait3A_54 = arith.constant 78 : i32
    %dma_wait3A_55 = arith.constant 0 : i32
    %dma_wait3A_56 = tpu.memref_slice %arg7[%dma_wait3A_54, %dma_wait3A_55] : memref<79x128xi32, #tpu.memory_space<vmem>> -> memref<1x128xi32, #tpu.memory_space<vmem>>
    %dma_wait3A_57 = tpu.memref_squeeze %dma_wait3A_56 : memref<1x128xi32, #tpu.memory_space<vmem>> -> memref<128xi32, #tpu.memory_space<vmem>>
    %dma_wait3A_58 = arith.constant 0 : i32
    %dma_wait3A_59 = arith.constant 0 : i32
    %dma_wait3A_60 = tpu.memref_slice %arg6[%dma_wait3A_58, %dma_wait3A_59] : memref<10112x16xf32, #tpu.memory_space<vmem_shared>> -> memref<10112x16xf32, #tpu.memory_space<vmem_shared>>
    tpu.wait_indirect_dma semaphore(%arg9 : memref<!tpu.dma_semaphore, #tpu.memory_space<semaphore_mem>>) src(%arg8 : memref<128x16xf32, #tpu.memory_space<vmem>>) dst(%dma_wait3A_60 : memref<10112x16xf32, #tpu.memory_space<vmem_shared>>)
    %barrier3A_61 = arith.constant 0 : index
    tpu.barrier barrier_id(%barrier3A_61)
    %mul3A_62 = arith.constant 632 : i32
    %mul3A_63 = arith.muli %arg1, %mul3A_62 : i32
    "tpu.region"() ({
      %run_scoped3A = tpu.sem_alloc : memref<!tpu.dma_semaphore, #tpu.memory_space<semaphore_mem>>
      %dma_start3A_64 = arith.constant 0 : i32
      %dma_start3A_65 = arith.constant 0 : i32
      %dma_start3A_66 = tpu.memref_slice %arg5[%arg0, %dma_start3A_64, %dma_start3A_65] : memref<2x10112x16xf32, #tpu.memory_space<hbm>> -> memref<1x10112x16xf32, #tpu.memory_space<hbm>>
      %dma_start3A_67 = tpu.memref_squeeze %dma_start3A_66 : memref<1x10112x16xf32, #tpu.memory_space<hbm>> -> memref<10112x16xf32, #tpu.memory_space<hbm>>
      %dma_start3A_68 = arith.constant 0 : i32
      %dma_start3A_69 = tpu.memref_slice %dma_start3A_67[%mul3A_63, %dma_start3A_68] : memref<10112x16xf32, #tpu.memory_space<hbm>> -> memref<632x16xf32, #tpu.memory_space<hbm>>
      %dma_start3A_70 = arith.constant 0 : i32
      %dma_start3A_71 = tpu.memref_slice %arg6[%mul3A_63, %dma_start3A_70] : memref<10112x16xf32, #tpu.memory_space<vmem_shared>> -> memref<632x16xf32, #tpu.memory_space<vmem_shared>>
      tpu.enqueue_dma source(%dma_start3A_71 : memref<632x16xf32, #tpu.memory_space<vmem_shared>>) target(%dma_start3A_69 : memref<632x16xf32, #tpu.memory_space<hbm>>) target_semaphore(%run_scoped3A : memref<!tpu.dma_semaphore, #tpu.memory_space<semaphore_mem>>)
      %dma_wait3A_72 = arith.constant 0 : i32
      %dma_wait3A_73 = arith.constant 0 : i32
      %dma_wait3A_74 = tpu.memref_slice %arg5[%arg0, %dma_wait3A_72, %dma_wait3A_73] : memref<2x10112x16xf32, #tpu.memory_space<hbm>> -> memref<1x10112x16xf32, #tpu.memory_space<hbm>>
      %dma_wait3A_75 = tpu.memref_squeeze %dma_wait3A_74 : memref<1x10112x16xf32, #tpu.memory_space<hbm>> -> memref<10112x16xf32, #tpu.memory_space<hbm>>
      %dma_wait3A_76 = arith.constant 0 : i32
      %dma_wait3A_77 = tpu.memref_slice %dma_wait3A_75[%mul3A_63, %dma_wait3A_76] : memref<10112x16xf32, #tpu.memory_space<hbm>> -> memref<632x16xf32, #tpu.memory_space<hbm>>
      %dma_wait3A_78 = arith.constant 0 : i32
      %dma_wait3A_79 = tpu.memref_slice %arg6[%mul3A_63, %dma_wait3A_78] : memref<10112x16xf32, #tpu.memory_space<vmem_shared>> -> memref<632x16xf32, #tpu.memory_space<vmem_shared>>
      tpu.wait_dma2 semaphore(%run_scoped3A : memref<!tpu.dma_semaphore, #tpu.memory_space<semaphore_mem>>) src(%dma_wait3A_79 : memref<632x16xf32, #tpu.memory_space<vmem_shared>>) dst(%dma_wait3A_77 : memref<632x16xf32, #tpu.memory_space<hbm>>)
      tpu.yield
    }) : () -> ()
    return
  }
}

module attributes {stable_mosaic.version = 14 : i64} {
  func.func @_tc_scale1(%arg0: memref<10112x128xf32, #tpu.memory_space<vmem>>, %arg1: memref<128x128xf32, #tpu.memory_space<vmem>>, %arg2: memref<2x10112x16xf32, #tpu.memory_space<vmem>>, %arg3: memref<2x10112x64xf32, #tpu.memory_space<vmem>>, %arg4: memref<10112x1xf32, #tpu.memory_space<vmem>>) attributes {dimension_semantics = [], scalar_prefetch = 0 : i64, scratch_operands = 0 : i64, tpu.core_type = #tpu.core_type<tc>} {
    %get3A = arith.constant 0 : index
    %get3A_0 = arith.constant 0 : index
    %get3A_1 = arith.constant 0 : index
    %get3A_2 = vector.load %arg2[%get3A, %get3A_0, %get3A_1] : memref<2x10112x16xf32, #tpu.memory_space<vmem>>, vector<1x10112x1xf32>
    %get3A_3 = vector.shape_cast %get3A_2 : vector<1x10112x1xf32> to vector<10112x1xf32>
    %get3A_4 = arith.constant 1 : index
    %get3A_5 = arith.constant 0 : index
    %get3A_6 = arith.constant 0 : index
    %get3A_7 = vector.load %arg2[%get3A_4, %get3A_5, %get3A_6] : memref<2x10112x16xf32, #tpu.memory_space<vmem>>, vector<1x10112x1xf32>
    %get3A_8 = vector.shape_cast %get3A_7 : vector<1x10112x1xf32> to vector<10112x1xf32>
    %add3A = arith.addf %get3A_3, %get3A_8 : vector<10112x1xf32>
    %add3A_9 = arith.constant 1.000000e+00 : f32
    %add3A_10 = vector.broadcast %add3A_9 : f32 to vector<10112x1xf32>
    %add3A_11 = arith.addf %add3A, %add3A_10 : vector<10112x1xf32>
    %iota3A = tpu.iota {dimensions = array<i32: 0>} : vector<10112x1xi32>
    %lt3A = arith.constant 10000 : i32
    %lt3A_12 = vector.broadcast %lt3A : i32 to vector<10112x1xi32>
    %lt3A_13 = arith.cmpi slt, %iota3A, %lt3A_12 : vector<10112x1xi32>
    %rsqrt3A = math.rsqrt %add3A_11 : vector<10112x1xf32>
    %jit3A = arith.constant 0.000000e+00 : f32
    %broadcast_in_dim3A = vector.broadcast %jit3A : f32 to vector<10112x1xf32>
    %select_n3A = arith.select %lt3A_13, %rsqrt3A, %broadcast_in_dim3A : vector<10112x1xi1>, vector<10112x1xf32>
    %swap3A = arith.constant 0 : index
    %swap3A_14 = arith.constant 0 : index
    %swap3A_15 = vector.load %arg4[%swap3A, %swap3A_14] : memref<10112x1xf32, #tpu.memory_space<vmem>>, vector<10112x1xf32>
    tpu.vector_store %arg4[%swap3A, %swap3A_14], %select_n3A {strides = array<i32>} : memref<10112x1xf32, #tpu.memory_space<vmem>>, vector<10112x1xf32>,
    %get3A_16 = arith.constant 0 : index
    %get3A_17 = arith.constant 0 : index
    %get3A_18 = vector.load %arg0[%get3A_16, %get3A_17] : memref<10112x128xf32, #tpu.memory_space<vmem>>, vector<10112x128xf32>
    %get3A_19 = arith.constant 0 : index
    %get3A_20 = arith.constant 0 : index
    %get3A_21 = vector.load %arg1[%get3A_19, %get3A_20] : memref<128x128xf32, #tpu.memory_space<vmem>>, vector<128x128xf32>
    %dot_general3A = arith.constant dense<0.000000e+00> : vector<10112x128xf32>
    %dot_general3A_22 = tpu.matmul %get3A_18, %get3A_21, %dot_general3A {dimension_numbers = #tpu.dot_dimension_numbers<[1], [0], [0], [1], [0, 0, 1, 1], [], []>, transpose_lhs_hint = false} : vector<10112x128xf32>, vector<128x128xf32>, vector<10112x128xf32> -> vector<10112x128xf32>
    %mul3A = vector.broadcast %select_n3A : vector<10112x1xf32> to vector<10112x128xf32>
    %mul3A_23 = arith.mulf %dot_general3A_22, %mul3A : vector<10112x128xf32>
    %slice3A = vector.extract_strided_slice %mul3A_23 {offsets = [0, 0], sizes = [10112, 64], strides = [1, 1]} : vector<10112x128xf32> to vector<10112x64xf32>
    %swap3A_24 = arith.constant 0 : index
    %swap3A_25 = arith.constant 0 : index
    %swap3A_26 = arith.constant 0 : index
    %swap3A_27 = vector.load %arg3[%swap3A_24, %swap3A_25, %swap3A_26] : memref<2x10112x64xf32, #tpu.memory_space<vmem>>, vector<1x10112x64xf32>
    %swap3A_28 = vector.shape_cast %swap3A_27 : vector<1x10112x64xf32> to vector<10112x64xf32>
    %swap3A_29 = vector.shape_cast %slice3A : vector<10112x64xf32> to vector<1x10112x64xf32>
    tpu.vector_store %arg3[%swap3A_24, %swap3A_25, %swap3A_26], %swap3A_29 {strides = array<i32>} : memref<2x10112x64xf32, #tpu.memory_space<vmem>>, vector<1x10112x64xf32>,
    %slice3A_30 = vector.extract_strided_slice %mul3A_23 {offsets = [0, 64], sizes = [10112, 64], strides = [1, 1]} : vector<10112x128xf32> to vector<10112x64xf32>
    %swap3A_31 = arith.constant 1 : index
    %swap3A_32 = arith.constant 0 : index
    %swap3A_33 = arith.constant 0 : index
    %swap3A_34 = vector.load %arg3[%swap3A_31, %swap3A_32, %swap3A_33] : memref<2x10112x64xf32, #tpu.memory_space<vmem>>, vector<1x10112x64xf32>
    %swap3A_35 = vector.shape_cast %swap3A_34 : vector<1x10112x64xf32> to vector<10112x64xf32>
    %swap3A_36 = vector.shape_cast %slice3A_30 : vector<10112x64xf32> to vector<1x10112x64xf32>
    tpu.vector_store %arg3[%swap3A_31, %swap3A_32, %swap3A_33], %swap3A_36 {strides = array<i32>} : memref<2x10112x64xf32, #tpu.memory_space<vmem>>, vector<1x10112x64xf32>,
    return
  }
}

module attributes {stable_mosaic.version = 14 : i64} {
  func.func @_tc_mid(%arg0: memref<2x10112x64xf32, #tpu.memory_space<vmem>>, %arg1: memref<2x10112x64xf32, #tpu.memory_space<vmem>>, %arg2: memref<10112x1xf32, #tpu.memory_space<vmem>>, %arg3: memref<128x64xf32, #tpu.memory_space<vmem>>, %arg4: memref<1x128xf32, #tpu.memory_space<vmem>>, %arg5: memref<2x10112x32xf32, #tpu.memory_space<vmem>>) attributes {dimension_semantics = [], scalar_prefetch = 0 : i64, scratch_operands = 0 : i64, tpu.core_type = #tpu.core_type<tc>} {
    %get3A = arith.constant 0 : index
    %get3A_0 = arith.constant 0 : index
    %get3A_1 = arith.constant 0 : index
    %get3A_2 = vector.load %arg0[%get3A, %get3A_0, %get3A_1] : memref<2x10112x64xf32, #tpu.memory_space<vmem>>, vector<1x10112x64xf32>
    %get3A_3 = vector.shape_cast %get3A_2 : vector<1x10112x64xf32> to vector<10112x64xf32>
    %get3A_4 = arith.constant 1 : index
    %get3A_5 = arith.constant 0 : index
    %get3A_6 = arith.constant 0 : index
    %get3A_7 = vector.load %arg0[%get3A_4, %get3A_5, %get3A_6] : memref<2x10112x64xf32, #tpu.memory_space<vmem>>, vector<1x10112x64xf32>
    %get3A_8 = vector.shape_cast %get3A_7 : vector<1x10112x64xf32> to vector<10112x64xf32>
    %concatenate3A = tpu.concatenate %get3A_3, %get3A_8 in 1 : vector<10112x64xf32>, vector<10112x64xf32> -> vector<10112x128xf32>
    %get3A_9 = arith.constant 0 : index
    %get3A_10 = arith.constant 0 : index
    %get3A_11 = arith.constant 0 : index
    %get3A_12 = vector.load %arg1[%get3A_9, %get3A_10, %get3A_11] : memref<2x10112x64xf32, #tpu.memory_space<vmem>>, vector<1x10112x64xf32>
    %get3A_13 = vector.shape_cast %get3A_12 : vector<1x10112x64xf32> to vector<10112x64xf32>
    %get3A_14 = arith.constant 1 : index
    %get3A_15 = arith.constant 0 : index
    %get3A_16 = arith.constant 0 : index
    %get3A_17 = vector.load %arg1[%get3A_14, %get3A_15, %get3A_16] : memref<2x10112x64xf32, #tpu.memory_space<vmem>>, vector<1x10112x64xf32>
    %get3A_18 = vector.shape_cast %get3A_17 : vector<1x10112x64xf32> to vector<10112x64xf32>
    %concatenate3A_19 = tpu.concatenate %get3A_13, %get3A_18 in 1 : vector<10112x64xf32>, vector<10112x64xf32> -> vector<10112x128xf32>
    %get3A_20 = arith.constant 0 : index
    %get3A_21 = arith.constant 0 : index
    %get3A_22 = vector.load %arg2[%get3A_20, %get3A_21] : memref<10112x1xf32, #tpu.memory_space<vmem>>, vector<10112x1xf32>
    %add3A = arith.addf %concatenate3A, %concatenate3A_19 : vector<10112x128xf32>
    %mul3A = vector.broadcast %get3A_22 : vector<10112x1xf32> to vector<10112x128xf32>
    %mul3A_23 = arith.mulf %mul3A, %add3A : vector<10112x128xf32>
    %get3A_24 = arith.constant 0 : index
    %get3A_25 = arith.constant 0 : index
    %get3A_26 = vector.load %arg4[%get3A_24, %get3A_25] : memref<1x128xf32, #tpu.memory_space<vmem>>, vector<1x128xf32>
    %add3A_27 = vector.broadcast %get3A_26 : vector<1x128xf32> to vector<10112x128xf32>
    %add3A_28 = arith.addf %mul3A_23, %add3A_27 : vector<10112x128xf32>
    %max3A = arith.constant 0.000000e+00 : f32
    %max3A_29 = vector.broadcast %max3A : f32 to vector<10112x128xf32>
    %max3A_30 = arith.maximumf %add3A_28, %max3A_29 : vector<10112x128xf32>
    %get3A_31 = arith.constant 0 : index
    %get3A_32 = arith.constant 0 : index
    %get3A_33 = vector.load %arg3[%get3A_31, %get3A_32] : memref<128x64xf32, #tpu.memory_space<vmem>>, vector<128x64xf32>
    %dot_general3A = arith.constant dense<0.000000e+00> : vector<10112x64xf32>
    %dot_general3A_34 = tpu.matmul %max3A_30, %get3A_33, %dot_general3A {dimension_numbers = #tpu.dot_dimension_numbers<[1], [0], [0], [1], [0, 0, 1, 1], [], []>, transpose_lhs_hint = false} : vector<10112x128xf32>, vector<128x64xf32>, vector<10112x64xf32> -> vector<10112x64xf32>
    %mul3A_35 = vector.broadcast %get3A_22 : vector<10112x1xf32> to vector<10112x64xf32>
    %mul3A_36 = arith.mulf %dot_general3A_34, %mul3A_35 : vector<10112x64xf32>
    %slice3A = vector.extract_strided_slice %mul3A_36 {offsets = [0, 0], sizes = [10112, 32], strides = [1, 1]} : vector<10112x64xf32> to vector<10112x32xf32>
    %swap3A = arith.constant 0 : index
    %swap3A_37 = arith.constant 0 : index
    %swap3A_38 = arith.constant 0 : index
    %swap3A_39 = vector.load %arg5[%swap3A, %swap3A_37, %swap3A_38] : memref<2x10112x32xf32, #tpu.memory_space<vmem>>, vector<1x10112x32xf32>
    %swap3A_40 = vector.shape_cast %swap3A_39 : vector<1x10112x32xf32> to vector<10112x32xf32>
    %swap3A_41 = vector.shape_cast %slice3A : vector<10112x32xf32> to vector<1x10112x32xf32>
    tpu.vector_store %arg5[%swap3A, %swap3A_37, %swap3A_38], %swap3A_41 {strides = array<i32>} : memref<2x10112x32xf32, #tpu.memory_space<vmem>>, vector<1x10112x32xf32>,
    %slice3A_42 = vector.extract_strided_slice %mul3A_36 {offsets = [0, 32], sizes = [10112, 32], strides = [1, 1]} : vector<10112x64xf32> to vector<10112x32xf32>
    %swap3A_43 = arith.constant 1 : index
    %swap3A_44 = arith.constant 0 : index
    %swap3A_45 = arith.constant 0 : index
    %swap3A_46 = vector.load %arg5[%swap3A_43, %swap3A_44, %swap3A_45] : memref<2x10112x32xf32, #tpu.memory_space<vmem>>, vector<1x10112x32xf32>
    %swap3A_47 = vector.shape_cast %swap3A_46 : vector<1x10112x32xf32> to vector<10112x32xf32>
    %swap3A_48 = vector.shape_cast %slice3A_42 : vector<10112x32xf32> to vector<1x10112x32xf32>
    tpu.vector_store %arg5[%swap3A_43, %swap3A_44, %swap3A_45], %swap3A_48 {strides = array<i32>} : memref<2x10112x32xf32, #tpu.memory_space<vmem>>, vector<1x10112x32xf32>,
    return
  }
}

module attributes {stable_mosaic.version = 14 : i64} {
  func.func @_tc_final(%arg0: memref<2x10112x32xf32, #tpu.memory_space<vmem>>, %arg1: memref<2x10112x32xf32, #tpu.memory_space<vmem>>, %arg2: memref<10112x1xf32, #tpu.memory_space<vmem>>, %arg3: memref<1x64xf32, #tpu.memory_space<vmem>>, %arg4: memref<10000x64xf32, #tpu.memory_space<vmem>>) attributes {dimension_semantics = [], scalar_prefetch = 0 : i64, scratch_operands = 0 : i64, tpu.core_type = #tpu.core_type<tc>} {
    %get3A = arith.constant 0 : index
    %get3A_0 = arith.constant 0 : index
    %get3A_1 = arith.constant 0 : index
    %get3A_2 = vector.load %arg0[%get3A, %get3A_0, %get3A_1] : memref<2x10112x32xf32, #tpu.memory_space<vmem>>, vector<1x10112x32xf32>
    %get3A_3 = vector.shape_cast %get3A_2 : vector<1x10112x32xf32> to vector<10112x32xf32>
    %get3A_4 = arith.constant 1 : index
    %get3A_5 = arith.constant 0 : index
    %get3A_6 = arith.constant 0 : index
    %get3A_7 = vector.load %arg0[%get3A_4, %get3A_5, %get3A_6] : memref<2x10112x32xf32, #tpu.memory_space<vmem>>, vector<1x10112x32xf32>
    %get3A_8 = vector.shape_cast %get3A_7 : vector<1x10112x32xf32> to vector<10112x32xf32>
    %concatenate3A = tpu.concatenate %get3A_3, %get3A_8 in 1 : vector<10112x32xf32>, vector<10112x32xf32> -> vector<10112x64xf32>
    %get3A_9 = arith.constant 0 : index
    %get3A_10 = arith.constant 0 : index
    %get3A_11 = arith.constant 0 : index
    %get3A_12 = vector.load %arg1[%get3A_9, %get3A_10, %get3A_11] : memref<2x10112x32xf32, #tpu.memory_space<vmem>>, vector<1x10112x32xf32>
    %get3A_13 = vector.shape_cast %get3A_12 : vector<1x10112x32xf32> to vector<10112x32xf32>
    %get3A_14 = arith.constant 1 : index
    %get3A_15 = arith.constant 0 : index
    %get3A_16 = arith.constant 0 : index
    %get3A_17 = vector.load %arg1[%get3A_14, %get3A_15, %get3A_16] : memref<2x10112x32xf32, #tpu.memory_space<vmem>>, vector<1x10112x32xf32>
    %get3A_18 = vector.shape_cast %get3A_17 : vector<1x10112x32xf32> to vector<10112x32xf32>
    %concatenate3A_19 = tpu.concatenate %get3A_13, %get3A_18 in 1 : vector<10112x32xf32>, vector<10112x32xf32> -> vector<10112x64xf32>
    %get3A_20 = arith.constant 0 : index
    %get3A_21 = arith.constant 0 : index
    %get3A_22 = vector.load %arg2[%get3A_20, %get3A_21] : memref<10112x1xf32, #tpu.memory_space<vmem>>, vector<10112x1xf32>
    %add3A = arith.addf %concatenate3A, %concatenate3A_19 : vector<10112x64xf32>
    %mul3A = vector.broadcast %get3A_22 : vector<10112x1xf32> to vector<10112x64xf32>
    %mul3A_23 = arith.mulf %mul3A, %add3A : vector<10112x64xf32>
    %get3A_24 = arith.constant 0 : index
    %get3A_25 = arith.constant 0 : index
    %get3A_26 = vector.load %arg3[%get3A_24, %get3A_25] : memref<1x64xf32, #tpu.memory_space<vmem>>, vector<1x64xf32>
    %add3A_27 = vector.broadcast %get3A_26 : vector<1x64xf32> to vector<10112x64xf32>
    %add3A_28 = arith.addf %mul3A_23, %add3A_27 : vector<10112x64xf32>
    %slice3A = vector.extract_strided_slice %add3A_28 {offsets = [0, 0], sizes = [10000, 64], strides = [1, 1]} : vector<10112x64xf32> to vector<10000x64xf32>
    %reduce_max3A = arith.constant dense<0xFF800000> : vector<10000xf32>
    %reduce_max3A_29 = vector.multi_reduction <maximumf>, %slice3A, %reduce_max3A [1] : vector<10000x64xf32> to vector<10000xf32>
    %broadcast_in_dim3A = vector.shape_cast %reduce_max3A_29 : vector<10000xf32> to vector<10000x1xf32>
    %sub3A = vector.broadcast %broadcast_in_dim3A : vector<10000x1xf32> to vector<10000x64xf32>
    %sub3A_30 = arith.subf %slice3A, %sub3A : vector<10000x64xf32>
    %exp3A = math.exp %sub3A_30 : vector<10000x64xf32>
    %reduce_sum3A = arith.constant dense<0.000000e+00> : vector<10000xf32>
    %reduce_sum3A_31 = vector.multi_reduction <add>, %exp3A, %reduce_sum3A [1] : vector<10000x64xf32> to vector<10000xf32>
    %broadcast_in_dim3A_32 = vector.shape_cast %reduce_sum3A_31 : vector<10000xf32> to vector<10000x1xf32>
    %log3A = math.log %broadcast_in_dim3A_32 : vector<10000x1xf32>
    %sub3A_33 = vector.broadcast %broadcast_in_dim3A : vector<10000x1xf32> to vector<10000x64xf32>
    %sub3A_34 = arith.subf %slice3A, %sub3A_33 : vector<10000x64xf32>
    %sub3A_35 = vector.broadcast %log3A : vector<10000x1xf32> to vector<10000x64xf32>
    %sub3A_36 = arith.subf %sub3A_34, %sub3A_35 : vector<10000x64xf32>
    %swap3A = arith.constant 0 : index
    %swap3A_37 = arith.constant 0 : index
    %swap3A_38 = vector.load %arg4[%swap3A, %swap3A_37] : memref<10000x64xf32, #tpu.memory_space<vmem>>, vector<10000x64xf32>
    tpu.vector_store %arg4[%swap3A, %swap3A_37], %sub3A_36 {strides = array<i32>} : memref<10000x64xf32, #tpu.memory_space<vmem>>, vector<10000x64xf32>,
    return
  }
}

</mosaic_0001>

<sc_bundles>
// kernel: kernel.11.cloned.1.call-start
scs
__scs_entry_jumppad:
0x0: {  	(pc) =	sbr.rel $0x88, $3  }
0x1: {  	(tag) =	ssettag $0x0;
	lr =	simm.s32 $0x1  }
0x2: {  	[smem:$0x3F9B] =	sst lr;
	_ =	strace $0xD0000000  }
0x3: {  	_ = 	snop  }
0x4: {  	_ = 	snop  }
0x5: {  	_ = 	snop  }
0x6: {  	_ = 	snop  }
0x7: {  	_ = 	snop  }
__scs_overlays_trampoline_lowered:
0x8: {  	[smem:$0x3FAA] =	sst s0  }
0x9: {  	[smem:$0x3FAB] =	sst s1  }
0xa: {  	[smem:$0x3FAC] =	sst s2  }
0xb: {  	[smem:$0x3FAD] =	sst s3  }
0xc: {  	[smem:$0x3FAE] =	sst s4  }
0xd: {  	[smem:$0x3FAF] =	sst s5  }
0xe: {  	[smem:$0x3FB0] =	sst s6  }
0xf: {  	[smem:$0x3FB1] =	sst s7  }
0x10: {  	[smem:$0x3FB2] =	sst s8  }
0x11: {  	[smem:$0x3FB3] =	sst s9;
	s0 =	simm.s32 @!p0 $0x0  }
0x12: {  	s1 =	sld [smem:$0x3F99];
	s0 =	simm.s32 @p0 $0x1  }
0x13: {  	[smem:$0x3FB4] =	sst s0;
	s0 =	simm.s32 @!p1 $0x0  }
0x14: {  	s2 =	sld [smem:$0x3F98];
	s0 =	simm.s32 @p1 $0x1  }
0x15: {  	[smem:$0x3FB5] =	sst s0;
	s0 =	simm.s32 @!p2 $0x0  }
0x16: {  	s3 =	sld [smem:$0x3FDB];
	s0 =	simm.s32 @p2 $0x1  }
0x17: {  	s4 =	simm.s32 $0x1BF5;
	[smem:$0x3FB7] =	sst s0  }
0x18: {  	s0 =	sld [smem:$0x3F9A];
	_ =	swait.ge [sflag:s4], $0x0  }
0x19: {  	s7 =	sld [smem:$0x3F9B]  }
0x1a: {  	s8 =	sadd.s32 $0xFFFFE003, lr  }
0x1b: {  	s9 =	sadd.s32 $0xFFFFFEF7, lr;
	s5 =	simm.s32 $0xFFFFFFFF;
	p2 =	slt.u32 s8, $0xFFFFF086  }
0x1c: {  	p1 =	slt.u32 s9, $0xF7A;
	s5 =	simm.s32 @!p2 $0x0  }
0x1d: {  	s5 =	simm.s32 @p1 $0x1;
	p0 =	seq.s32 s7, s2  }
0x1e: {  	s7 =	smul.u32 @!p0 $0xF7A, s2;
	p2 =	seq.s32 @!p0 s5, $0x0  }
0x1f: {  	s9 =	smul.u32 $0xF7A, s1;
	s8 =	simm.s32 @!p0 $0x1BF5;
	p2 =	por !p2, p0  }
0x20: {  	[sflag:s8] =	ssyncset.s32 @!p0 $0xFFFFF086;
	s6 =	sadd.s32 @!p0 s3, s7;
	s7 =	simm.s32 @!p0 $0x108  }
0x21: {  	s3 =	sadd.s32 s3, s9;
	s6 =	sadd.s32 @!p0 $0x88, s6;
	s7 =	simm.s32 @p2 $0x1082  }
0x22: {  	[simem:s7], [sflag:s8] =	dma.local @!p0 [hbm:s6], $0xF7A  }
0x23: {  	s9 =	sor.u32 $0xD0000000, s2;
	s6 =	simm.s32 $0x108;
	_ =	swait.ge @!p0 [sflag:s8], $0x0  }
0x24: {  	s3 =	sadd.s32 $0x88, s3;
	s6 =	simm.s32 @!p1 $0x1082;
	[sflag:s4] =	ssyncset.s32 $0xFFFFF086  }
0x25: {  	[simem:s6], [sflag:s4] =	dma.local [hbm:s3], $0xF7A  }
0x26: {  	[smem:$0x3F9B] =	sst s1;
	(tag) =	ssettag s2;
	_ =	strace s9  }
0x27: {  	s1 =	sld [smem:$0x3FAB]  }
0x28: {  	s2 =	sld [smem:$0x3FAC]  }
0x29: {  	s4 =	sld [smem:$0x3FAE]  }
0x2a: {  	p0 =	seq.s32 s5, $0x0;
	s5 =	sld [smem:$0x3FAF]  }
0x2b: {  	s6 =	sld [smem:$0x3FB0]  }
0x2c: {  	s7 =	sld [smem:$0x3FB1]  }
0x2d: {  	s3 =	simm.s32 $0x108;
	s8 =	sld [smem:$0x3FB2]  }
0x2e: {  	s3 =	simm.s32 @!p0 $0x1082;
	s9 =	sld [smem:$0x3FB3]  }
0x2f: {  	lr =	sadd.s32 s0, s3;
	s0 =	sld [smem:$0x3FAA]  }
0x30: {  	s3 =	sld [smem:$0x3FAD]  }
0x31: {  	[smem:$0x3FB6] =	sst s10  }
0x32: {  	s10 =	sld [smem:$0x3FB4];
	_ =	sdelay $0x3  }
0x33: {  	p0 =	seq.s32 s10, $0x1;
	s10 =	sld [smem:$0x3FB6];
	_ =	sdelay $0x3  }
0x34: {  	[smem:$0x3FB6] =	sst s10  }
0x35: {  	s10 =	sld [smem:$0x3FB5];
	_ =	sdelay $0x3  }
0x36: {  	p1 =	seq.s32 s10, $0x1;
	s10 =	sld [smem:$0x3FB6];
	_ =	sdelay $0x3  }
0x37: {  	[smem:$0x3FB6] =	sst s10  }
0x38: {  	s10 =	sld [smem:$0x3FB7]  }
0x39: {  	_ = 	snop;
	(pc) =	sbr.ind lr, $3  }
0x3a: {  	_ = 	snop  }
0x3b: {  	_ = 	snop  }
0x3c: {  	p2 =	seq.s32 s10, $0x1;
	s10 =	sld [smem:$0x3FB6]  }
0x3d: {  	_ =	shalt  }
0x3e: {  	_ =	shalt  }
0x3f: {  	_ =	shalt  }
0x40: {  	_ =	shalt  }
0x41: {  	_ =	shalt  }
0x42: {  	_ =	shalt  }
0x43: {  	_ =	shalt  }
0x44: {  	_ =	shalt  }
0x45: {  	_ =	shalt  }
0x46: {  	_ =	shalt  }
0x47: {  	_ =	shalt  }
0x48: {  	_ =	shalt  }
0x49: {  	_ =	shalt  }
0x4a: {  	_ =	shalt  }
0x4b: {  	_ =	shalt  }
0x4c: {  	_ =	shalt  }
0x4d: {  	_ =	shalt  }
0x4e: {  	_ =	shalt  }
0x4f: {  	_ =	shalt  }
0x50: {  	_ =	shalt  }
0x51: {  	_ =	shalt  }
0x52: {  	_ =	shalt  }
0x53: {  	_ =	shalt  }
0x54: {  	_ =	shalt  }
0x55: {  	_ =	shalt  }
0x56: {  	_ =	shalt  }
0x57: {  	_ =	shalt  }
0x58: {  	_ =	shalt  }
0x59: {  	_ =	shalt  }
0x5a: {  	_ =	shalt  }
0x5b: {  	_ =	shalt  }
0x5c: {  	_ =	shalt  }
0x5d: {  	_ =	shalt  }
0x5e: {  	_ =	shalt  }
0x5f: {  	_ =	shalt  }
0x60: {  	_ =	shalt  }
0x61: {  	_ =	shalt  }
0x62: {  	_ =	shalt  }
0x63: {  	_ =	shalt  }
0x64: {  	_ =	shalt  }
0x65: {  	_ =	shalt  }
0x66: {  	_ =	shalt  }
0x67: {  	_ =	shalt  }
0x68: {  	_ =	shalt  }
0x69: {  	_ =	shalt  }
0x6a: {  	_ =	shalt  }
0x6b: {  	_ =	shalt  }
0x6c: {  	_ =	shalt  }
0x6d: {  	_ =	shalt  }
0x6e: {  	_ =	shalt  }
0x6f: {  	_ =	shalt  }
0x70: {  	_ =	shalt  }
0x71: {  	_ =	shalt  }
0x72: {  	_ =	shalt  }
0x73: {  	_ =	shalt  }
0x74: {  	_ =	shalt  }
0x75: {  	_ =	shalt  }
0x76: {  	_ =	shalt  }
0x77: {  	_ =	shalt  }
0x78: {  	_ =	shalt  }
0x79: {  	_ =	shalt  }
0x7a: {  	_ =	shalt  }
0x7b: {  	_ =	shalt  }
0x7c: {  	_ =	shalt  }
0x7d: {  	_ =	shalt  }
0x7e: {  	_ =	shalt  }
0x7f: {  	_ =	shalt  }
0x80: {  	_ =	shalt  }
0x81: {  	_ =	shalt  }
0x82: {  	_ =	shalt  }
0x83: {  	_ =	shalt  }
0x84: {  	_ =	shalt  }
0x85: {  	_ =	shalt  }
0x86: {  	_ =	shalt  }
0x87: {  	_ =	shalt  }
.Lfunc_end0:
.L_simem_size_0:
called_computation.1_lowered:
.L_overlay_start_0:
0x88: {  	s2 =	sld [smem:$0x3FD9]  }
0x89: {  	s3 =	sld [smem:$0x3FFE];
	_ =	sdelay $0x1  }
0x8a: {  	s1 =	srdreg.scid  }
0x8b: {  	s0 =	sand.u32 $0x1, s1  }
0x8c: {  	s17 =	sshll.u32 s0, $0xA;
	s2 =	sadd.s32 s3, s2  }
0x8d: {  	s2 =	sadd.s32 s2, s17  }
0x8e: {  	[smem:$0x3FC2] =	sst s2  }
0x8f: {  	_ = 	snop  }
0x90: {  	s2 =	sld [smem:$0x3FD0];
	(tm) =	ssettm $0x1  }
0x91: {  	s18 =	sld [smem:$0x3FFB];
	_ =	sdelay $0x3  }
0x92: {  	_ =	strace s18  }
0x93: {  	s3 =	sld [smem:$0x3FFC];
	_ =	sdelay $0x3  }
0x94: {  	_ =	strace s3  }
0x95: {  	s3 =	sld [smem:$0x3FFD];
	_ =	sdelay $0x3  }
0x96: {  	_ =	strace s3  }
0x97: {  	_ =	strace $0x8FFFFFFF  }
0x98: {  	s19 =	sld [smem:$0x3FDB];
	_ =	sdelay $0x1  }
0x99: {  	s4 =	simm.s32 $_scs_section_size  }
0x9a: {  	s5 =	simm.s32 $_size__tile_overlayer_lowered;
	s6 =	simm.s32 $_tile_overlayer_lowered  }
0x9b: {  	s22 =	simm.s32 $0x1BFF;
	s21 =	sshll.u32 s6, $0x1;
	s3 =	sadd.s32 s4, s19  }
0x9c: {  	s7 =	simm.s32 $0x0;
	s20 =	sshll.u32 s5, $0x1;
	s5 =	sadd.s32 s21, s3  }
0x9d: {  	[timem:s7], [sflag:s22] =	dma.local [hbm:s5], s20  }
0x9e: {  	_ =	swait.ge [sflag:s22], s20  }
0x9f: {  	s4 =	ssub.s32 $0x0, s20;
	[sflag:s22] =	ssyncset.done $0x0  }
0xa0: {  	[sflag:s22] =	ssyncadd.s32 s4;
	_ =	sdelay $0x1  }
0xa1: {  	s23 =	simm.s32 $0x1B8B  }
0xa2: {  	_ =	swait.ge [sflag:s23], $0x1  }
0xa3: {  	[sflag:s23] =	ssyncset.done $0x0  }
0xa4: {  	s25 =	simm.s32 $0x1B8E;
	s24 =	sld [smem:$0x3FFE];
	[sflag:s23] =	ssyncadd.s32 $0xFFFFFFFF  }
0xa5: {  	s26 =	simm.s32 $execute0_lowered;
	[smem:$0x3FD2] =	sst s25  }
0xa6: {  	s5 =	sshll.u32 s26, $0x1;
	_ =	strace $0x80000049;
	[dreg:$0x1] =	wrdreg $0xFFFFFFFF  }
0xa7: {  	s28 =	simm.s32 $_size_execute0_lowered;
	s3 =	sadd.s32 s3, s5;
	[dreg:$0x0] =	wrdreg $0x0  }
0xa8: {  	s5 =	sshll.u32 s28, $0x1;
	[dreg:$0x2] =	wrdreg s3  }
0xa9: {  	[dreg:$0x3] =	wrdreg s5  }
0xaa: {  	[dreg:$0x4] =	wrdreg $0xC0  }
0xab: {  	_ =	task [dreg:s7], $0x5FFFF  }
0xac: {  	[dreg:$0x1] =	wrdreg $0xFFFFFFFF  }
0xad: {  	[dreg:$0x0] =	wrdreg $0x60  }
0xae: {  	[dreg:$0x2] =	wrdreg s24  }
0xaf: {  	[dreg:$0x3] =	wrdreg s2  }
0xb0: {  	[dreg:$0x4] =	wrdreg $0x0  }
0xb1: {  	[dreg:$0x5] =	wrdreg $0x9E000  }
0xb2: {  	[dreg:$0x6] =	wrdreg $0x9  }
0xb3: {  	_ =	task.clear_ibuf [dreg:s7], $0x7FFFF;
	_ =	strace $0x90000049  }
0xb4: {  	s29 =	simm.s32 $0x9;
	_ =	strace $0x8000004B  }
0xb5: {  	_ =	swait.ge [sflag:s29], $0x1  }
0xb6: {  	[sflag:s29] =	ssyncadd.s32 $0xFFFFFFFF  }
0xb7: {  	_ =	strace $0x9000004B  }
0xb8: {  	_ =	sfence  }
0xb9: {  	s30 =	sld [smem:$0x0];
	_ =	sdelay $0x2  }
0xba: {  	s31 =	sshll.u32 s1, $0xD;
	s1 =	sshrl.u32 s1, $0x2  }
0xbb: {  	s3 =	sand.u32 $0x4000, s31;
	s1 =	sadd.s32 s1, s30  }
0xbc: {  	s0 =	sor.u32 s3, s0;
	s1 =	sshll.u32 s1, $0x11  }
0xbd: {  	s0 =	sor.u32 s1, s0  }
0xbe: {  	s0 =	sadd.s32 $0x8F2B, s0  }
0xbf: {  	[sflag:s0] =	ssyncadd.remote.s32 $0x1  }
0xc0: {  	_ =	sfence.sel $0xFFFF  }
0xc1: {  	[dreg:$0x0] =	wrdreg $0xFFFFFFFF;
	(pc) =	sbr.abs _section_cstart, $3  }
0xc2: {  	[dreg:$0x1] =	wrdreg $0xFFFFFFFF  }
0xc3: {  	_ =	task.clear_ibuf [dreg:s7], $0x2FFFF;
	_ =	strace $0x9FFFFFFF  }
0xc4: {  	(tm) =	ssettm $0x7FFFFFFF  }
0xc5: {  	_ =	shalt  }
tec
execute0_lowered:
.L_overlay_start_1:
0x0: {  	(tag) =	ssettag $0x1  }
0x1: {  	s0 =	rddreg [dreg:$0x0]  }
0x2: {  	s3 =	rddreg [dreg:$0x2]  }
0x3: {  	s4 =	rddreg [dreg:$0x3];
	s7 =	stileid.u32  }
0x4: {  	s5 =	simm.s32 $0x0;
	s2 =	srdreg.scid;
	s17 =	simm.s32 $0x13C00  }
0x5: {  	s18 =	simm.s32 $0x1;
	s19 =	simm.s32 $0x2;
	s20 =	simm.s32 $0x3  }
0x6: {  	s21 =	simm.s32 $0x80;
	s22 =	simm.s32 $0x18C00;
	s23 =	simm.s32 $0x18B00  }
0x7: {  	s28 =	simm.s32 $0x5;
	s29 =	simm.s32 $0x4;
	s1 =	smul.u32 $0x9E0, s7  }
0x8: {  	s31 =	simm.s32 $0x0;
	[smem:$0x7FF] =	sst s5;
	s10 =	smul.u32 $0x9E00, s7  }
0x9: {  	s2 =	sand.u32 $0x1, s2;
	s9 =	sadd.s32 $0x2400, s0;
	s11 =	smul.u32 $0x4F00, s7  }
0xa: {  	_ =	strace $0x8000004A;
	s6 =	smul.u32 $0x13C00, s2;
	s2 =	ssub.s32 $0x2, s2  }
0xb: {  	s8 =	sadd.s32 s1, s0;
	s25 =	sshrl.u32 s2, $0x1;
	s13 =	sadd.s32 s10, s3  }
0xc: {  	s16 =	sadd.s32 s10, s4;
	s11 =	sshrl.u32 s11, $0x3;
	s24 =	sshrl.u32 s10, $0x3  }
0xd: {  	s0 =	sadd.s32 s6, s0;
	s2 =	ssub.s32 s2, s25;
	s6 =	sshll.u32 s7, $0x6  }
0xe: {  	s26 =	sadd.s32 s9, s11;
	s30 =	sadd.s32 $0xCA00, s8;
	s9 =	sadd.s32 s9, s1  }
0xf: {  	s13 =	sshrl.u32 s13, $0x3;
	s16 =	sshrl.u32 s16, $0x3;
	s25 =	simm.s32 $0x1AC00  }
0x10: {  	s7 =	sor.u32 $0x1C01, s6;
	s14 =	sadd.s32 $0x8D000, s0;
	[dreg:$0x6] =	wrdreg s30  }
0x11: {  	s10 =	sadd.s32 $0x9D0, s26;
	s0 =	sadd.s32 $0xB4800, s0;
	s11 =	smax.u32 s2, $0x1  }
0x12: {  	s12 =	sadd.s32 $0x10, s9;
	s15 =	sor.u32 $0x1C02, s6;
	s26 =	simm.s32 $0x18B80  }
0x13: {  	[dreg:$0x5] =	wrdreg s7;
	s14 =	sadd.s32 s24, s14;
	s24 =	sadd.s32 s24, s0  }
.LBB2_1:
0x14: {  	s0 =	rddreg [dreg:$0x1]  }
0x15: {  	s1 =	rddreg [dreg:$0x5]  }
0x16: {  	[spmem:s13], [sflag:s1] =	dma.local [hbm:s0], $0x13C0  }
0x17: {  	[spmem:s16], [sflag:s15] =	dma.local [hbm:s14], $0x13C0  }
0x18: {  	s2 =	rddreg [dreg:$0x6]  }
0x19: {  	[tilespmem:s17], [sflag:$0x3] =	stream.linear.gather [hbm4b:s2+s5], $0x4F00, $0x38;
	[tilespmem:$0x1CC00] =	vst v63  }
0x1a: {  	_ =	swait.ge [sflag:s18], $0x13C0  }
0x1b: {  	[sflag:s18] =	ssyncset.done $0x0  }
0x1c: {  	[sflag:s18] =	ssyncadd.s32 $0xFFFFEC40  }
0x1d: {  	_ =	swait.ge [sflag:s19], $0x13C0  }
0x1e: {  	[sflag:s19] =	ssyncset.done $0x0  }
0x1f: {  	[sflag:s19] =	ssyncadd.s32 $0xFFFFEC40  }
0x20: {  	_ =	swait.ge [sflag:s20], $0x4F00  }
0x21: {  	[sflag:s20] =	ssyncset.done $0x0  }
0x22: {  	[sflag:s20] =	ssyncadd.s32 $0xFFFFB100  }
0x23: {  	[bflag:$0x0] =	sbarrier.arrive $0xFFFF  }
0x24: {  	[tilespmem:s22], [sflag:$0x1] =	stream.indirect.gather [spmem:s4], $0x40, s17, s21, $0xb8;
	[tilespmem:$0x1CC00] =	vst v63  }
0x25: {  	_ = 	snop  }
0x26: {  	[tilespmem:s23], [sflag:$0x3] =	stream.linear.gather [hbm4b:s9+s5], $0x80, $0x38;
	[tilespmem:$0x1CC00] =	vst v63  }
0x27: {  	s7 =	simm.s32 $0x13C80  }
0x28: {  	[tilespmem:s25], [sflag:$0x2] =	stream.indirect.gather [spmem:s4], $0x40, s7, s21, $0xb8;
	[tilespmem:$0x1CC00] =	vst v63  }
0x29: {  	_ = 	snop  }
0x2a: {  	[tilespmem:s26], [sflag:$0x4] =	stream.linear.gather [hbm4b:s12+s5], $0x80, $0x38;
	[tilespmem:$0x1CC00] =	vst v63  }
0x2b: {  	_ =	swait.ge [sflag:s18], $0x2000  }
0x2c: {  	[sflag:s18] =	ssyncset.done $0x0  }
0x2d: {  	[sflag:s18] =	ssyncadd.s32 $0xFFFFE000  }
0x2e: {  	_ =	swait.ge [sflag:s20], $0x80  }
0x2f: {  	[sflag:s20] =	ssyncset.done $0x0  }
0x30: {  	[sflag:s20] =	ssyncadd.s32 $0xFFFFFF80  }
0x31: {  	[spmem:s3] =	stream.indirect.scatter.add.f32 [tilespmem:s22], [sflag:$0x5], $0x40, s23, s21, $0xb8;
	[tilespmem:$0x1CC00] =	vst v63  }
0x32: {  	_ =	swait.ge [sflag:s28], $0x2000  }
0x33: {  	[sflag:s28] =	ssyncset.done $0x0  }
0x34: {  	s8 =	simm.s32 $0x13D00;
	[sflag:s28] =	ssyncadd.s32 $0xFFFFE000  }
0x35: {  	[tilespmem:s22], [sflag:$0x1] =	stream.indirect.gather [spmem:s4], $0x40, s8, s21, $0xb8;
	[tilespmem:$0x1CC00] =	vst v63  }
0x36: {  	s30 =	sadd.s32 $0x10, s12  }
0x37: {  	[tilespmem:s23], [sflag:$0x3] =	stream.linear.gather [hbm4b:s30+s5], $0x80, $0x38;
	[tilespmem:$0x1CC00] =	vst v63  }
0x38: {  	_ =	swait.ge [sflag:s19], $0x2000  }
0x39: {  	[sflag:s19] =	ssyncset.done $0x0  }
0x3a: {  	[sflag:s19] =	ssyncadd.s32 $0xFFFFE000  }
0x3b: {  	_ =	swait.ge [sflag:s29], $0x80  }
0x3c: {  	[sflag:s29] =	ssyncset.done $0x0  }
0x3d: {  	[sflag:s29] =	ssyncadd.s32 $0xFFFFFF80  }
0x3e: {  	[spmem:s3] =	stream.indirect.scatter.add.f32 [tilespmem:s25], [sflag:$0x5], $0x40, s26, s21, $0xb8;
	[tilespmem:$0x1CC00] =	vst v63  }
0x3f: {  	s1 =	simm.s32 $0xFFFFB300;
	_ =	swait.ge [sflag:s28], $0x2000  }
0x40: {  	s0 =	sadd.s32 $0x20, s12;
	s2 =	simm.s32 $0xFFFED000;
	[sflag:s28] =	ssyncset.done $0x0  }
.LBB2_2:
0x41: {  	s30 =	sadd.s32 $0x18A80, s1  }
0x42: {  	[sflag:s28] =	ssyncadd.s32 $0xFFFFE000;
	s7 =	smov.u32 s2;
	s8 =	sadd.s32 $0x400, s2  }
0x43: {  	[tilespmem:s25], [sflag:$0x2] =	stream.indirect.gather [spmem:s4], $0x40, s30, s21, $0xb8;
	[tilespmem:$0x1CC00] =	vst v63  }
0x44: {  	p0 =	sne.s32 s2, $0xFFFFFC00  }
0x45: {  	[tilespmem:s26], [sflag:$0x4] =	stream.linear.gather [hbm4b:s0+s5], $0x80, $0x38;
	[tilespmem:$0x1CC00] =	vst v63  }
0x46: {  	_ =	swait.ge [sflag:s18], $0x2000  }
0x47: {  	[sflag:s18] =	ssyncset.done $0x0  }
0x48: {  	[sflag:s18] =	ssyncadd.s32 $0xFFFFE000  }
0x49: {  	_ =	swait.ge [sflag:s20], $0x80  }
0x4a: {  	[sflag:s20] =	ssyncset.done $0x0  }
0x4b: {  	[sflag:s20] =	ssyncadd.s32 $0xFFFFFF80  }
0x4c: {  	[spmem:s3] =	stream.indirect.scatter.add.f32 [tilespmem:s22], [sflag:$0x5], $0x40, s23, s21, $0xb8;
	[tilespmem:$0x1CC00] =	vst v63  }
0x4d: {  	_ =	swait.ge [sflag:s28], $0x2000  }
0x4e: {  	[sflag:s28] =	ssyncset.done $0x0  }
0x4f: {  	s1 =	sadd.s32 $0x18B00, s1;
	[sflag:s28] =	ssyncadd.s32 $0xFFFFE000  }
0x50: {  	[tilespmem:s22], [sflag:$0x1] =	stream.indirect.gather [spmem:s4], $0x40, s1, s21, $0xb8;
	[tilespmem:$0x1CC00] =	vst v63  }
0x51: {  	s1 =	sadd.s32 $0x10, s0  }
0x52: {  	[tilespmem:s23], [sflag:$0x3] =	stream.linear.gather [hbm4b:s1+s5], $0x80, $0x38;
	[tilespmem:$0x1CC00] =	vst v63  }
0x53: {  	_ =	swait.ge [sflag:s19], $0x2000  }
0x54: {  	[sflag:s19] =	ssyncset.done $0x0  }
0x55: {  	[sflag:s19] =	ssyncadd.s32 $0xFFFFE000  }
0x56: {  	_ =	swait.ge [sflag:s29], $0x80  }
.Ltmp0:
0x57: {  	[sflag:s29] =	ssyncset.done $0x0;
	(pc) =	sbr.rel @p0 .LBB2_2-.Ltmp0, $4  }
0x58: {  	[sflag:s29] =	ssyncadd.s32 $0xFFFFFF80  }
0x59: {  	[spmem:s3] =	stream.indirect.scatter.add.f32 [tilespmem:s25], [sflag:$0x5], $0x40, s26, s21, $0xb8;
	[tilespmem:$0x1CC00] =	vst v63  }
0x5a: {  	s2 =	smov.u32 s8;
	_ =	swait.ge [sflag:s28], $0x2000  }
0x5b: {  	s0 =	sadd.s32 $0x20, s0;
	s1 =	sshra.s32 s7, $0x2;
	[sflag:s28] =	ssyncset.done $0x0  }
0x5c: {  	s2 =	sadd.s32 $0x18A80, s1;
	[sflag:s28] =	ssyncadd.s32 $0xFFFFE000  }
0x5d: {  	[tilespmem:s25], [sflag:$0x2] =	stream.indirect.gather [spmem:s4], $0x40, s2, s21, $0xb8;
	[tilespmem:$0x1CC00] =	vst v63  }
0x5e: {  	_ = 	snop  }
0x5f: {  	[tilespmem:s26], [sflag:$0x4] =	stream.linear.gather [hbm4b:s0+s5], $0x80, $0x38;
	[tilespmem:$0x1CC00] =	vst v63  }
0x60: {  	_ =	swait.ge [sflag:s18], $0x2000  }
0x61: {  	[sflag:s18] =	ssyncset.done $0x0  }
0x62: {  	[sflag:s18] =	ssyncadd.s32 $0xFFFFE000  }
0x63: {  	_ =	swait.ge [sflag:s20], $0x80  }
0x64: {  	[sflag:s20] =	ssyncset.done $0x0  }
0x65: {  	[sflag:s20] =	ssyncadd.s32 $0xFFFFFF80  }
0x66: {  	[spmem:s3] =	stream.indirect.scatter.add.f32 [tilespmem:s22], [sflag:$0x5], $0x40, s23, s21, $0xb8;
	[tilespmem:$0x1CC00] =	vst v63  }
0x67: {  	_ =	swait.ge [sflag:s28], $0x2000  }
0x68: {  	[sflag:s28] =	ssyncset.done $0x0  }
0x69: {  	s2 =	sadd.s32 $0x18B00, s1;
	[sflag:s28] =	ssyncadd.s32 $0xFFFFE000  }
0x6a: {  	[tilespmem:s22], [sflag:$0x1] =	stream.indirect.gather [spmem:s4], $0x40, s2, s21, $0xb8;
	[tilespmem:$0x1CC00] =	vst v63  }
0x6b: {  	s7 =	sadd.s32 $0x10, s0  }
0x6c: {  	[tilespmem:s23], [sflag:$0x3] =	stream.linear.gather [hbm4b:s7+s5], $0x80, $0x38;
	[tilespmem:$0x1CC00] =	vst v63  }
0x6d: {  	_ =	swait.ge [sflag:s19], $0x2000  }
0x6e: {  	[sflag:s19] =	ssyncset.done $0x0  }
0x6f: {  	[sflag:s19] =	ssyncadd.s32 $0xFFFFE000  }
0x70: {  	_ =	swait.ge [sflag:s29], $0x80  }
0x71: {  	[sflag:s29] =	ssyncset.done $0x0  }
0x72: {  	[sflag:s29] =	ssyncadd.s32 $0xFFFFFF80  }
0x73: {  	[spmem:s3] =	stream.indirect.scatter.add.f32 [tilespmem:s25], [sflag:$0x5], $0x40, s26, s21, $0xb8;
	[tilespmem:$0x1CC00] =	vst v63  }
0x74: {  	_ =	swait.ge [sflag:s28], $0x2000  }
0x75: {  	[sflag:s28] =	ssyncset.done $0x0  }
0x76: {  	s8 =	simm.s32 $0x18A80;
	[sflag:s28] =	ssyncadd.s32 $0xFFFFE000  }
0x77: {  	[tilespmem:s25], [sflag:$0x2] =	stream.indirect.gather [spmem:s4], $0x40, s8, s21, $0xb8;
	[tilespmem:$0x1CC00] =	vst v63  }
0x78: {  	_ = 	snop  }
0x79: {  	[tilespmem:s26], [sflag:$0x4] =	stream.linear.gather [hbm4b:s10+s5], $0x80, $0x38;
	[tilespmem:$0x1CC00] =	vst v63  }
0x7a: {  	_ =	swait.ge [sflag:s18], $0x2000  }
0x7b: {  	[sflag:s18] =	ssyncset.done $0x0  }
0x7c: {  	[sflag:s18] =	ssyncadd.s32 $0xFFFFE000  }
0x7d: {  	_ =	swait.ge [sflag:s20], $0x80  }
0x7e: {  	[sflag:s20] =	ssyncset.done $0x0  }
0x7f: {  	[sflag:s20] =	ssyncadd.s32 $0xFFFFFF80  }
0x80: {  	[spmem:s3] =	stream.indirect.scatter.add.f32 [tilespmem:s22], [sflag:$0x5], $0x40, s23, s21, $0xb8;
	[tilespmem:$0x1CC00] =	vst v63  }
0x81: {  	_ =	swait.ge [sflag:s28], $0x2000  }
0x82: {  	[sflag:s28] =	ssyncset.done $0x0  }
0x83: {  	[sflag:s28] =	ssyncadd.s32 $0xFFFFE000  }
0x84: {  	_ =	swait.ge [sflag:s19], $0x2000  }
0x85: {  	[sflag:s19] =	ssyncset.done $0x0  }
0x86: {  	[sflag:s19] =	ssyncadd.s32 $0xFFFFE000  }
0x87: {  	_ =	swait.ge [sflag:s29], $0x80  }
0x88: {  	[sflag:s29] =	ssyncset.done $0x0  }
0x89: {  	[sflag:s29] =	ssyncadd.s32 $0xFFFFFF80  }
0x8a: {  	[spmem:s3] =	stream.indirect.scatter.add.f32 [tilespmem:s25], [sflag:$0x5], $0x40, s26, s21, $0xb8;
	[tilespmem:$0x1CC00] =	vst v63  }
0x8b: {  	_ =	swait.ge [sflag:s28], $0x2000  }
0x8c: {  	s31 =	sadd.s32 $0x1, s31;
	[sflag:s28] =	ssyncset.done $0x0  }
0x8d: {  	p0 =	sne.s32 s31, s11;
	[sflag:s28] =	ssyncadd.s32 $0xFFFFE000  }
.Ltmp1:
0x8e: {  	s30 =	sor.u32 $0x1C05, s6;
	[bflag:$0x0] =	sbarrier.arrive $0xFFFF;
	(pc) =	sbr.rel @p0 .LBB2_1-.Ltmp1, $4  }
0x8f: {  	[hbm:s24], [sflag:s30] =	dma.local [spmem:s13], $0x13C0  }
0x90: {  	_ =	swait.ge [sflag:s28], $0x13C0  }
0x91: {  	[sflag:s28] =	ssyncset.done $0x0  }
0x92: {  	[sflag:s28] =	ssyncadd.s32 $0xFFFFEC40  }
0x93: {  	_ =	sfence.sel $0x180000  }
0x94: {  	[bflag:$0x0] =	sbarrier.arrive $0xFFFF  }
0x95: {  	_ =	strace $0x9000004A  }
0x96: {  	s0 =	stileid.u32;
	[bflag:$0x2] =	sbarrier.arrive $0xFFFF  }
0x97: {  	p0 =	sne.s32 s0, $0x0;
	s0 =	rddreg [dreg:$0x4]  }
0x98: {  	s0 =	sadd.s32 @!p0 $0x100000, s0  }
0x99: {  	[sflag:s0] =	ssyncadd.tile.s32 @!p0 $0x1;
	_ =	shalt  }
.Lfunc_end2:
_tile_overlayer_lowered:
.L_overlay_start_2:
0x9a: {  	(tag) =	ssettag $0x2  }
0x9b: {  	s0 =	rddreg [dreg:$0x0];
	s2 =	stileid.u32  }
0x9c: {  	s1 =	rddreg [dreg:$0x1];
	p0 =	sne.s32 s2, $0x0  }
0x9d: {  	s3 =	rddreg [dreg:$0x2];
	[bflag:$0x3] =	sbarrier.arrive $0xFFFF;
	s2 =	simm.s32 @!p0 $0x1C05  }
0x9e: {  	[timem:s3], [sflag:s2] =	dma.local @!p0 [hbm:s0], s1  }
0x9f: {  	s0 =	simm.s32 @!p0 $0x5  }
0xa0: {  	_ =	swait.ge @!p0 [sflag:s0], s1  }
0xa1: {  	s1 =	ssub.s32 @!p0 $0x0, s1;
	[sflag:s0] =	ssyncset.done @!p0 $0x0  }
0xa2: {  	[sflag:s0] =	ssyncadd.s32 @!p0 s1  }
0xa3: {  	[bflag:$0x3] =	sbarrier.arrive $0xFFFF  }
0xa4: {  	_ =	shalt  }

// kernel: kernel.14.cloned.1.call-start
scs
__scs_entry_jumppad:
0x0: {  	(pc) =	sbr.rel $0x88, $3  }
0x1: {  	(tag) =	ssettag $0x0;
	lr =	simm.s32 $0x1  }
0x2: {  	[smem:$0x3F9B] =	sst lr;
	_ =	strace $0xD0000000  }
0x3: {  	_ = 	snop  }
0x4: {  	_ = 	snop  }
0x5: {  	_ = 	snop  }
0x6: {  	_ = 	snop  }
0x7: {  	_ = 	snop  }
__scs_overlays_trampoline_lowered:
0x8: {  	[smem:$0x3FAA] =	sst s0  }
0x9: {  	[smem:$0x3FAB] =	sst s1  }
0xa: {  	[smem:$0x3FAC] =	sst s2  }
0xb: {  	[smem:$0x3FAD] =	sst s3  }
0xc: {  	[smem:$0x3FAE] =	sst s4  }
0xd: {  	[smem:$0x3FAF] =	sst s5  }
0xe: {  	[smem:$0x3FB0] =	sst s6  }
0xf: {  	[smem:$0x3FB1] =	sst s7  }
0x10: {  	[smem:$0x3FB2] =	sst s8  }
0x11: {  	[smem:$0x3FB3] =	sst s9;
	s0 =	simm.s32 @!p0 $0x0  }
0x12: {  	s1 =	sld [smem:$0x3F99];
	s0 =	simm.s32 @p0 $0x1  }
0x13: {  	[smem:$0x3FB4] =	sst s0;
	s0 =	simm.s32 @!p1 $0x0  }
0x14: {  	s2 =	sld [smem:$0x3F98];
	s0 =	simm.s32 @p1 $0x1  }
0x15: {  	[smem:$0x3FB5] =	sst s0;
	s0 =	simm.s32 @!p2 $0x0  }
0x16: {  	s3 =	sld [smem:$0x3FDB];
	s0 =	simm.s32 @p2 $0x1  }
0x17: {  	s4 =	simm.s32 $0x1BF5;
	[smem:$0x3FB7] =	sst s0  }
0x18: {  	s0 =	sld [smem:$0x3F9A];
	_ =	swait.ge [sflag:s4], $0x0  }
0x19: {  	s7 =	sld [smem:$0x3F9B]  }
0x1a: {  	s8 =	sadd.s32 $0xFFFFE003, lr  }
0x1b: {  	s9 =	sadd.s32 $0xFFFFFEF7, lr;
	s5 =	simm.s32 $0xFFFFFFFF;
	p2 =	slt.u32 s8, $0xFFFFF086  }
0x1c: {  	p1 =	slt.u32 s9, $0xF7A;
	s5 =	simm.s32 @!p2 $0x0  }
0x1d: {  	s5 =	simm.s32 @p1 $0x1;
	p0 =	seq.s32 s7, s2  }
0x1e: {  	s7 =	smul.u32 @!p0 $0xF7A, s2;
	p2 =	seq.s32 @!p0 s5, $0x0  }
0x1f: {  	s9 =	smul.u32 $0xF7A, s1;
	s8 =	simm.s32 @!p0 $0x1BF5;
	p2 =	por !p2, p0  }
0x20: {  	[sflag:s8] =	ssyncset.s32 @!p0 $0xFFFFF086;
	s6 =	sadd.s32 @!p0 s3, s7;
	s7 =	simm.s32 @!p0 $0x108  }
0x21: {  	s3 =	sadd.s32 s3, s9;
	s6 =	sadd.s32 @!p0 $0x88, s6;
	s7 =	simm.s32 @p2 $0x1082  }
0x22: {  	[simem:s7], [sflag:s8] =	dma.local @!p0 [hbm:s6], $0xF7A  }
0x23: {  	s9 =	sor.u32 $0xD0000000, s2;
	s6 =	simm.s32 $0x108;
	_ =	swait.ge @!p0 [sflag:s8], $0x0  }
0x24: {  	s3 =	sadd.s32 $0x88, s3;
	s6 =	simm.s32 @!p1 $0x1082;
	[sflag:s4] =	ssyncset.s32 $0xFFFFF086  }
0x25: {  	[simem:s6], [sflag:s4] =	dma.local [hbm:s3], $0xF7A  }
0x26: {  	[smem:$0x3F9B] =	sst s1;
	(tag) =	ssettag s2;
	_ =	strace s9  }
0x27: {  	s1 =	sld [smem:$0x3FAB]  }
0x28: {  	s2 =	sld [smem:$0x3FAC]  }
0x29: {  	s4 =	sld [smem:$0x3FAE]  }
0x2a: {  	p0 =	seq.s32 s5, $0x0;
	s5 =	sld [smem:$0x3FAF]  }
0x2b: {  	s6 =	sld [smem:$0x3FB0]  }
0x2c: {  	s7 =	sld [smem:$0x3FB1]  }
0x2d: {  	s3 =	simm.s32 $0x108;
	s8 =	sld [smem:$0x3FB2]  }
0x2e: {  	s3 =	simm.s32 @!p0 $0x1082;
	s9 =	sld [smem:$0x3FB3]  }
0x2f: {  	lr =	sadd.s32 s0, s3;
	s0 =	sld [smem:$0x3FAA]  }
0x30: {  	s3 =	sld [smem:$0x3FAD]  }
0x31: {  	[smem:$0x3FB6] =	sst s10  }
0x32: {  	s10 =	sld [smem:$0x3FB4];
	_ =	sdelay $0x3  }
0x33: {  	p0 =	seq.s32 s10, $0x1;
	s10 =	sld [smem:$0x3FB6];
	_ =	sdelay $0x3  }
0x34: {  	[smem:$0x3FB6] =	sst s10  }
0x35: {  	s10 =	sld [smem:$0x3FB5];
	_ =	sdelay $0x3  }
0x36: {  	p1 =	seq.s32 s10, $0x1;
	s10 =	sld [smem:$0x3FB6];
	_ =	sdelay $0x3  }
0x37: {  	[smem:$0x3FB6] =	sst s10  }
0x38: {  	s10 =	sld [smem:$0x3FB7]  }
0x39: {  	_ = 	snop;
	(pc) =	sbr.ind lr, $3  }
0x3a: {  	_ = 	snop  }
0x3b: {  	_ = 	snop  }
0x3c: {  	p2 =	seq.s32 s10, $0x1;
	s10 =	sld [smem:$0x3FB6]  }
0x3d: {  	_ =	shalt  }
0x3e: {  	_ =	shalt  }
0x3f: {  	_ =	shalt  }
0x40: {  	_ =	shalt  }
0x41: {  	_ =	shalt  }
0x42: {  	_ =	shalt  }
0x43: {  	_ =	shalt  }
0x44: {  	_ =	shalt  }
0x45: {  	_ =	shalt  }
0x46: {  	_ =	shalt  }
0x47: {  	_ =	shalt  }
0x48: {  	_ =	shalt  }
0x49: {  	_ =	shalt  }
0x4a: {  	_ =	shalt  }
0x4b: {  	_ =	shalt  }
0x4c: {  	_ =	shalt  }
0x4d: {  	_ =	shalt  }
0x4e: {  	_ =	shalt  }
0x4f: {  	_ =	shalt  }
0x50: {  	_ =	shalt  }
0x51: {  	_ =	shalt  }
0x52: {  	_ =	shalt  }
0x53: {  	_ =	shalt  }
0x54: {  	_ =	shalt  }
0x55: {  	_ =	shalt  }
0x56: {  	_ =	shalt  }
0x57: {  	_ =	shalt  }
0x58: {  	_ =	shalt  }
0x59: {  	_ =	shalt  }
0x5a: {  	_ =	shalt  }
0x5b: {  	_ =	shalt  }
0x5c: {  	_ =	shalt  }
0x5d: {  	_ =	shalt  }
0x5e: {  	_ =	shalt  }
0x5f: {  	_ =	shalt  }
0x60: {  	_ =	shalt  }
0x61: {  	_ =	shalt  }
0x62: {  	_ =	shalt  }
0x63: {  	_ =	shalt  }
0x64: {  	_ =	shalt  }
0x65: {  	_ =	shalt  }
0x66: {  	_ =	shalt  }
0x67: {  	_ =	shalt  }
0x68: {  	_ =	shalt  }
0x69: {  	_ =	shalt  }
0x6a: {  	_ =	shalt  }
0x6b: {  	_ =	shalt  }
0x6c: {  	_ =	shalt  }
0x6d: {  	_ =	shalt  }
0x6e: {  	_ =	shalt  }
0x6f: {  	_ =	shalt  }
0x70: {  	_ =	shalt  }
0x71: {  	_ =	shalt  }
0x72: {  	_ =	shalt  }
0x73: {  	_ =	shalt  }
0x74: {  	_ =	shalt  }
0x75: {  	_ =	shalt  }
0x76: {  	_ =	shalt  }
0x77: {  	_ =	shalt  }
0x78: {  	_ =	shalt  }
0x79: {  	_ =	shalt  }
0x7a: {  	_ =	shalt  }
0x7b: {  	_ =	shalt  }
0x7c: {  	_ =	shalt  }
0x7d: {  	_ =	shalt  }
0x7e: {  	_ =	shalt  }
0x7f: {  	_ =	shalt  }
0x80: {  	_ =	shalt  }
0x81: {  	_ =	shalt  }
0x82: {  	_ =	shalt  }
0x83: {  	_ =	shalt  }
0x84: {  	_ =	shalt  }
0x85: {  	_ =	shalt  }
0x86: {  	_ =	shalt  }
0x87: {  	_ =	shalt  }
.Lfunc_end0:
.L_simem_size_0:
called_computation.2_lowered:
.L_overlay_start_0:
0x88: {  	s2 =	sld [smem:$0x3FD9]  }
0x89: {  	s3 =	sld [smem:$0x3FFE];
	_ =	sdelay $0x1  }
0x8a: {  	s1 =	srdreg.scid  }
0x8b: {  	s0 =	sand.u32 $0x1, s1  }
0x8c: {  	s17 =	sshll.u32 s0, $0xA;
	s2 =	sadd.s32 s3, s2  }
0x8d: {  	s2 =	sadd.s32 s2, s17  }
0x8e: {  	[smem:$0x3FC2] =	sst s2  }
0x8f: {  	_ = 	snop  }
0x90: {  	s2 =	sld [smem:$0x3FD0];
	(tm) =	ssettm $0x1  }
0x91: {  	s18 =	sld [smem:$0x3FFB];
	_ =	sdelay $0x3  }
0x92: {  	_ =	strace s18  }
0x93: {  	s3 =	sld [smem:$0x3FFC];
	_ =	sdelay $0x3  }
0x94: {  	_ =	strace s3  }
0x95: {  	s3 =	sld [smem:$0x3FFD];
	_ =	sdelay $0x3  }
0x96: {  	_ =	strace s3  }
0x97: {  	_ =	strace $0x8FFFFFFF  }
0x98: {  	s19 =	sld [smem:$0x3FDB];
	_ =	sdelay $0x1  }
0x99: {  	s4 =	simm.s32 $_scs_section_size  }
0x9a: {  	s5 =	simm.s32 $_size__tile_overlayer_lowered;
	s6 =	simm.s32 $_tile_overlayer_lowered  }
0x9b: {  	s22 =	simm.s32 $0x1BFF;
	s21 =	sshll.u32 s6, $0x1;
	s3 =	sadd.s32 s4, s19  }
0x9c: {  	s7 =	simm.s32 $0x0;
	s20 =	sshll.u32 s5, $0x1;
	s5 =	sadd.s32 s21, s3  }
0x9d: {  	[timem:s7], [sflag:s22] =	dma.local [hbm:s5], s20  }
0x9e: {  	_ =	swait.ge [sflag:s22], s20  }
0x9f: {  	s4 =	ssub.s32 $0x0, s20;
	[sflag:s22] =	ssyncset.done $0x0  }
0xa0: {  	[sflag:s22] =	ssyncadd.s32 s4;
	_ =	sdelay $0x1  }
0xa1: {  	s23 =	simm.s32 $0x1B8B  }
0xa2: {  	_ =	swait.ge [sflag:s23], $0x1  }
0xa3: {  	[sflag:s23] =	ssyncset.done $0x0  }
0xa4: {  	s25 =	simm.s32 $0x1B8E;
	s24 =	sld [smem:$0x3FFE];
	[sflag:s23] =	ssyncadd.s32 $0xFFFFFFFF  }
0xa5: {  	s26 =	simm.s32 $execute0_lowered;
	[smem:$0x3FD2] =	sst s25  }
0xa6: {  	s5 =	sshll.u32 s26, $0x1;
	_ =	strace $0x8000004C;
	[dreg:$0x1] =	wrdreg $0xFFFFFFFF  }
0xa7: {  	s28 =	simm.s32 $_size_execute0_lowered;
	s3 =	sadd.s32 s3, s5;
	[dreg:$0x0] =	wrdreg $0x0  }
0xa8: {  	s5 =	sshll.u32 s28, $0x1;
	[dreg:$0x2] =	wrdreg s3  }
0xa9: {  	[dreg:$0x3] =	wrdreg s5  }
0xaa: {  	[dreg:$0x4] =	wrdreg $0xC0  }
0xab: {  	_ =	task [dreg:s7], $0x5FFFF  }
0xac: {  	[dreg:$0x1] =	wrdreg $0xFFFFFFFF  }
0xad: {  	[dreg:$0x0] =	wrdreg $0x60  }
0xae: {  	[dreg:$0x2] =	wrdreg s2  }
0xaf: {  	[dreg:$0x3] =	wrdreg s24  }
0xb0: {  	[dreg:$0x4] =	wrdreg $0x0  }
0xb1: {  	[dreg:$0x5] =	wrdreg $0x4F000  }
0xb2: {  	[dreg:$0x6] =	wrdreg $0x9  }
0xb3: {  	_ =	task.clear_ibuf [dreg:s7], $0x7FFFF;
	_ =	strace $0x9000004C  }
0xb4: {  	s29 =	simm.s32 $0x9;
	_ =	strace $0x8000004E  }
0xb5: {  	_ =	swait.ge [sflag:s29], $0x1  }
0xb6: {  	[sflag:s29] =	ssyncadd.s32 $0xFFFFFFFF  }
0xb7: {  	_ =	strace $0x9000004E  }
0xb8: {  	_ =	sfence  }
0xb9: {  	s30 =	sld [smem:$0x0];
	_ =	sdelay $0x2  }
0xba: {  	s31 =	sshll.u32 s1, $0xD;
	s1 =	sshrl.u32 s1, $0x2  }
0xbb: {  	s3 =	sand.u32 $0x4000, s31;
	s1 =	sadd.s32 s1, s30  }
0xbc: {  	s0 =	sor.u32 s3, s0;
	s1 =	sshll.u32 s1, $0x11  }
0xbd: {  	s0 =	sor.u32 s1, s0  }
0xbe: {  	s0 =	sadd.s32 $0x8F2B, s0  }
0xbf: {  	[sflag:s0] =	ssyncadd.remote.s32 $0x1  }
0xc0: {  	_ =	sfence.sel $0xFFFF  }
0xc1: {  	[dreg:$0x0] =	wrdreg $0xFFFFFFFF;
	(pc) =	sbr.abs _section_cstart, $3  }
0xc2: {  	[dreg:$0x1] =	wrdreg $0xFFFFFFFF  }
0xc3: {  	_ =	task.clear_ibuf [dreg:s7], $0x2FFFF;
	_ =	strace $0x9FFFFFFF  }
0xc4: {  	(tm) =	ssettm $0x7FFFFFFF  }
0xc5: {  	_ =	shalt  }
tec
execute0_lowered:
.L_overlay_start_1:
0x0: {  	(tag) =	ssettag $0x1  }
0x1: {  	s0 =	rddreg [dreg:$0x0]  }
0x2: {  	s1 =	rddreg [dreg:$0x1]  }
0x3: {  	s2 =	rddreg [dreg:$0x2]  }
0x4: {  	s3 =	rddreg [dreg:$0x3];
	s14 =	stileid.u32  }
0x5: {  	s4 =	simm.s32 $0x0;
	s5 =	srdreg.scid;
	s17 =	simm.s32 $0x9E00  }
0x6: {  	s18 =	simm.s32 $0x1;
	s19 =	simm.s32 $0x2;
	s20 =	simm.s32 $0x3  }
0x7: {  	s21 =	simm.s32 $0x80;
	s28 =	simm.s32 $0x5;
	s29 =	simm.s32 $0x4  }
0x8: {  	s31 =	simm.s32 $0x0;
	s9 =	smul.u32 $0x9E0, s14;
	[smem:$0x7FF] =	sst s4  }
0x9: {  	s5 =	sand.u32 $0x1, s5;
	s10 =	sadd.s32 $0x2400, s1;
	s12 =	smul.u32 $0x4F00, s14  }
0xa: {  	s22 =	sadd.s32 $0x65800, s1;
	_ =	strace $0x8000004D;
	s11 =	smul.u32 $0x9E00, s5  }
0xb: {  	s6 =	ssub.s32 $0x2, s5;
	[dreg:$0x5] =	wrdreg s22;
	s22 =	simm.s32 $0xEE00  }
0xc: {  	s8 =	sadd.s32 s9, s1;
	s7 =	sshrl.u32 s6, $0x1;
	s23 =	sadd.s32 s12, s2  }
0xd: {  	s24 =	sshrl.u32 s12, $0x3;
	s16 =	sadd.s32 s12, s3;
	s9 =	sadd.s32 s10, s9  }
0xe: {  	s1 =	sadd.s32 s11, s1;
	s13 =	ssub.s32 s6, s7;
	s6 =	sshll.u32 s14, $0x6  }
0xf: {  	s0 =	sadd.s32 s0, s11;
	s26 =	sadd.s32 s10, s24;
	s30 =	sadd.s32 $0xCA00, s8  }
0x10: {  	s12 =	sadd.s32 $0x10, s9;
	s16 =	sshrl.u32 s16, $0x3;
	s25 =	sor.u32 $0x1C01, s6  }
0x11: {  	[dreg:$0x7] =	wrdreg s30;
	s10 =	sadd.s32 $0x9D0, s26;
	s1 =	sadd.s32 $0x66200, s1  }
0x12: {  	s11 =	smax.u32 s13, $0x1;
	s13 =	sshrl.u32 s23, $0x3;
	s14 =	sadd.s32 s24, s0  }
0x13: {  	s15 =	sor.u32 $0x1C02, s6;
	s23 =	simm.s32 $0xED00;
	s26 =	simm.s32 $0xED80  }
0x14: {  	[dreg:$0x6] =	wrdreg s25;
	s24 =	sadd.s32 s24, s1;
	s25 =	simm.s32 $0xFE00  }
.LBB2_1:
0x15: {  	s0 =	rddreg [dreg:$0x5]  }
0x16: {  	s1 =	rddreg [dreg:$0x6]  }
0x17: {  	[spmem:s13], [sflag:s1] =	dma.local [hbm:s0], $0x9E0  }
0x18: {  	[spmem:s16], [sflag:s15] =	dma.local [hbm:s14], $0x9E0  }
0x19: {  	s1 =	rddreg [dreg:$0x7]  }
0x1a: {  	[tilespmem:s17], [sflag:$0x3] =	stream.linear.gather [hbm4b:s1+s4], $0x4F00, $0x38;
	[tilespmem:$0x10E00] =	vst v63  }
0x1b: {  	_ =	swait.ge [sflag:s18], $0x9E0  }
0x1c: {  	[sflag:s18] =	ssyncset.done $0x0  }
0x1d: {  	[sflag:s18] =	ssyncadd.s32 $0xFFFFF620  }
0x1e: {  	_ =	swait.ge [sflag:s19], $0x9E0  }
0x1f: {  	[sflag:s19] =	ssyncset.done $0x0  }
0x20: {  	[sflag:s19] =	ssyncadd.s32 $0xFFFFF620  }
0x21: {  	_ =	swait.ge [sflag:s20], $0x4F00  }
0x22: {  	[sflag:s20] =	ssyncset.done $0x0  }
0x23: {  	[sflag:s20] =	ssyncadd.s32 $0xFFFFB100  }
0x24: {  	[bflag:$0x0] =	sbarrier.arrive $0xFFFF  }
0x25: {  	[tilespmem:s22], [sflag:$0x1] =	stream.indirect.gather [spmem:s3], $0x20, s17, s21, $0xb8;
	[tilespmem:$0x10E00] =	vst v63  }
0x26: {  	_ = 	snop  }
0x27: {  	[tilespmem:s23], [sflag:$0x3] =	stream.linear.gather [hbm4b:s9+s4], $0x80, $0x38;
	[tilespmem:$0x10E00] =	vst v63  }
0x28: {  	s5 =	simm.s32 $0x9E80  }
0x29: {  	[tilespmem:s25], [sflag:$0x2] =	stream.indirect.gather [spmem:s3], $0x20, s5, s21, $0xb8;
	[tilespmem:$0x10E00] =	vst v63  }
0x2a: {  	_ = 	snop  }
0x2b: {  	[tilespmem:s26], [sflag:$0x4] =	stream.linear.gather [hbm4b:s12+s4], $0x80, $0x38;
	[tilespmem:$0x10E00] =	vst v63  }
0x2c: {  	_ =	swait.ge [sflag:s18], $0x1000  }
0x2d: {  	[sflag:s18] =	ssyncset.done $0x0  }
0x2e: {  	[sflag:s18] =	ssyncadd.s32 $0xFFFFF000  }
0x2f: {  	_ =	swait.ge [sflag:s20], $0x80  }
0x30: {  	[sflag:s20] =	ssyncset.done $0x0  }
0x31: {  	[sflag:s20] =	ssyncadd.s32 $0xFFFFFF80  }
0x32: {  	[spmem:s2] =	stream.indirect.scatter.add.f32 [tilespmem:s22], [sflag:$0x5], $0x20, s23, s21, $0xb8;
	[tilespmem:$0x10E00] =	vst v63  }
0x33: {  	_ =	swait.ge [sflag:s28], $0x1000  }
0x34: {  	[sflag:s28] =	ssyncset.done $0x0  }
0x35: {  	s7 =	simm.s32 $0x9F00;
	[sflag:s28] =	ssyncadd.s32 $0xFFFFF000  }
0x36: {  	[tilespmem:s22], [sflag:$0x1] =	stream.indirect.gather [spmem:s3], $0x20, s7, s21, $0xb8;
	[tilespmem:$0x10E00] =	vst v63  }
0x37: {  	s8 =	sadd.s32 $0x10, s12  }
0x38: {  	[tilespmem:s23], [sflag:$0x3] =	stream.linear.gather [hbm4b:s8+s4], $0x80, $0x38;
	[tilespmem:$0x10E00] =	vst v63  }
0x39: {  	_ =	swait.ge [sflag:s19], $0x1000  }
0x3a: {  	[sflag:s19] =	ssyncset.done $0x0  }
0x3b: {  	[sflag:s19] =	ssyncadd.s32 $0xFFFFF000  }
0x3c: {  	_ =	swait.ge [sflag:s29], $0x80  }
0x3d: {  	[sflag:s29] =	ssyncset.done $0x0  }
0x3e: {  	[sflag:s29] =	ssyncadd.s32 $0xFFFFFF80  }
0x3f: {  	[spmem:s2] =	stream.indirect.scatter.add.f32 [tilespmem:s25], [sflag:$0x5], $0x20, s26, s21, $0xb8;
	[tilespmem:$0x10E00] =	vst v63  }
0x40: {  	s30 =	simm.s32 $0xFFFED000;
	_ =	swait.ge [sflag:s28], $0x1000  }
0x41: {  	s0 =	sadd.s32 $0x20, s12;
	s1 =	simm.s32 $0xFFFFB300;
	[sflag:s28] =	ssyncset.done $0x0  }
.LBB2_2:
0x42: {  	s5 =	sadd.s32 $0xEC80, s1  }
0x43: {  	[sflag:s28] =	ssyncadd.s32 $0xFFFFF000;
	s7 =	smov.u32 s30;
	s8 =	sadd.s32 $0x400, s30  }
0x44: {  	[tilespmem:s25], [sflag:$0x2] =	stream.indirect.gather [spmem:s3], $0x20, s5, s21, $0xb8;
	[tilespmem:$0x10E00] =	vst v63  }
0x45: {  	p0 =	sne.s32 s30, $0xFFFFFC00  }
0x46: {  	[tilespmem:s26], [sflag:$0x4] =	stream.linear.gather [hbm4b:s0+s4], $0x80, $0x38;
	[tilespmem:$0x10E00] =	vst v63  }
0x47: {  	_ =	swait.ge [sflag:s18], $0x1000  }
0x48: {  	[sflag:s18] =	ssyncset.done $0x0  }
0x49: {  	[sflag:s18] =	ssyncadd.s32 $0xFFFFF000  }
0x4a: {  	_ =	swait.ge [sflag:s20], $0x80  }
0x4b: {  	[sflag:s20] =	ssyncset.done $0x0  }
0x4c: {  	[sflag:s20] =	ssyncadd.s32 $0xFFFFFF80  }
0x4d: {  	[spmem:s2] =	stream.indirect.scatter.add.f32 [tilespmem:s22], [sflag:$0x5], $0x20, s23, s21, $0xb8;
	[tilespmem:$0x10E00] =	vst v63  }
0x4e: {  	_ =	swait.ge [sflag:s28], $0x1000  }
0x4f: {  	[sflag:s28] =	ssyncset.done $0x0  }
0x50: {  	s1 =	sadd.s32 $0xED00, s1;
	[sflag:s28] =	ssyncadd.s32 $0xFFFFF000  }
0x51: {  	[tilespmem:s22], [sflag:$0x1] =	stream.indirect.gather [spmem:s3], $0x20, s1, s21, $0xb8;
	[tilespmem:$0x10E00] =	vst v63  }
0x52: {  	s1 =	sadd.s32 $0x10, s0  }
0x53: {  	[tilespmem:s23], [sflag:$0x3] =	stream.linear.gather [hbm4b:s1+s4], $0x80, $0x38;
	[tilespmem:$0x10E00] =	vst v63  }
0x54: {  	_ =	swait.ge [sflag:s19], $0x1000  }
0x55: {  	[sflag:s19] =	ssyncset.done $0x0  }
0x56: {  	[sflag:s19] =	ssyncadd.s32 $0xFFFFF000  }
0x57: {  	_ =	swait.ge [sflag:s29], $0x80  }
.Ltmp0:
0x58: {  	[sflag:s29] =	ssyncset.done $0x0;
	(pc) =	sbr.rel @p0 .LBB2_2-.Ltmp0, $4  }
0x59: {  	[sflag:s29] =	ssyncadd.s32 $0xFFFFFF80  }
0x5a: {  	[spmem:s2] =	stream.indirect.scatter.add.f32 [tilespmem:s25], [sflag:$0x5], $0x20, s26, s21, $0xb8;
	[tilespmem:$0x10E00] =	vst v63  }
0x5b: {  	s30 =	smov.u32 s8;
	_ =	swait.ge [sflag:s28], $0x1000  }
0x5c: {  	s0 =	sadd.s32 $0x20, s0;
	s1 =	sshra.s32 s7, $0x2;
	[sflag:s28] =	ssyncset.done $0x0  }
0x5d: {  	s5 =	sadd.s32 $0xEC80, s1;
	[sflag:s28] =	ssyncadd.s32 $0xFFFFF000  }
0x5e: {  	[tilespmem:s25], [sflag:$0x2] =	stream.indirect.gather [spmem:s3], $0x20, s5, s21, $0xb8;
	[tilespmem:$0x10E00] =	vst v63  }
0x5f: {  	_ = 	snop  }
0x60: {  	[tilespmem:s26], [sflag:$0x4] =	stream.linear.gather [hbm4b:s0+s4], $0x80, $0x38;
	[tilespmem:$0x10E00] =	vst v63  }
0x61: {  	_ =	swait.ge [sflag:s18], $0x1000  }
0x62: {  	[sflag:s18] =	ssyncset.done $0x0  }
0x63: {  	[sflag:s18] =	ssyncadd.s32 $0xFFFFF000  }
0x64: {  	_ =	swait.ge [sflag:s20], $0x80  }
0x65: {  	[sflag:s20] =	ssyncset.done $0x0  }
0x66: {  	[sflag:s20] =	ssyncadd.s32 $0xFFFFFF80  }
0x67: {  	[spmem:s2] =	stream.indirect.scatter.add.f32 [tilespmem:s22], [sflag:$0x5], $0x20, s23, s21, $0xb8;
	[tilespmem:$0x10E00] =	vst v63  }
0x68: {  	_ =	swait.ge [sflag:s28], $0x1000  }
0x69: {  	[sflag:s28] =	ssyncset.done $0x0  }
0x6a: {  	s5 =	sadd.s32 $0xED00, s1;
	[sflag:s28] =	ssyncadd.s32 $0xFFFFF000  }
0x6b: {  	[tilespmem:s22], [sflag:$0x1] =	stream.indirect.gather [spmem:s3], $0x20, s5, s21, $0xb8;
	[tilespmem:$0x10E00] =	vst v63  }
0x6c: {  	s7 =	sadd.s32 $0x10, s0  }
0x6d: {  	[tilespmem:s23], [sflag:$0x3] =	stream.linear.gather [hbm4b:s7+s4], $0x80, $0x38;
	[tilespmem:$0x10E00] =	vst v63  }
0x6e: {  	_ =	swait.ge [sflag:s19], $0x1000  }
0x6f: {  	[sflag:s19] =	ssyncset.done $0x0  }
0x70: {  	[sflag:s19] =	ssyncadd.s32 $0xFFFFF000  }
0x71: {  	_ =	swait.ge [sflag:s29], $0x80  }
0x72: {  	[sflag:s29] =	ssyncset.done $0x0  }
0x73: {  	[sflag:s29] =	ssyncadd.s32 $0xFFFFFF80  }
0x74: {  	[spmem:s2] =	stream.indirect.scatter.add.f32 [tilespmem:s25], [sflag:$0x5], $0x20, s26, s21, $0xb8;
	[tilespmem:$0x10E00] =	vst v63  }
0x75: {  	_ =	swait.ge [sflag:s28], $0x1000  }
0x76: {  	[sflag:s28] =	ssyncset.done $0x0  }
0x77: {  	s8 =	simm.s32 $0xEC80;
	[sflag:s28] =	ssyncadd.s32 $0xFFFFF000  }
0x78: {  	[tilespmem:s25], [sflag:$0x2] =	stream.indirect.gather [spmem:s3], $0x20, s8, s21, $0xb8;
	[tilespmem:$0x10E00] =	vst v63  }
0x79: {  	_ = 	snop  }
0x7a: {  	[tilespmem:s26], [sflag:$0x4] =	stream.linear.gather [hbm4b:s10+s4], $0x80, $0x38;
	[tilespmem:$0x10E00] =	vst v63  }
0x7b: {  	_ =	swait.ge [sflag:s18], $0x1000  }
0x7c: {  	[sflag:s18] =	ssyncset.done $0x0  }
0x7d: {  	[sflag:s18] =	ssyncadd.s32 $0xFFFFF000  }
0x7e: {  	_ =	swait.ge [sflag:s20], $0x80  }
0x7f: {  	[sflag:s20] =	ssyncset.done $0x0  }
0x80: {  	[sflag:s20] =	ssyncadd.s32 $0xFFFFFF80  }
0x81: {  	[spmem:s2] =	stream.indirect.scatter.add.f32 [tilespmem:s22], [sflag:$0x5], $0x20, s23, s21, $0xb8;
	[tilespmem:$0x10E00] =	vst v63  }
0x82: {  	_ =	swait.ge [sflag:s28], $0x1000  }
0x83: {  	[sflag:s28] =	ssyncset.done $0x0  }
0x84: {  	[sflag:s28] =	ssyncadd.s32 $0xFFFFF000  }
0x85: {  	_ =	swait.ge [sflag:s19], $0x1000  }
0x86: {  	[sflag:s19] =	ssyncset.done $0x0  }
0x87: {  	[sflag:s19] =	ssyncadd.s32 $0xFFFFF000  }
0x88: {  	_ =	swait.ge [sflag:s29], $0x80  }
0x89: {  	[sflag:s29] =	ssyncset.done $0x0  }
0x8a: {  	[sflag:s29] =	ssyncadd.s32 $0xFFFFFF80  }
0x8b: {  	[spmem:s2] =	stream.indirect.scatter.add.f32 [tilespmem:s25], [sflag:$0x5], $0x20, s26, s21, $0xb8;
	[tilespmem:$0x10E00] =	vst v63  }
0x8c: {  	_ =	swait.ge [sflag:s28], $0x1000  }
0x8d: {  	s31 =	sadd.s32 $0x1, s31;
	[sflag:s28] =	ssyncset.done $0x0  }
0x8e: {  	p0 =	sne.s32 s31, s11;
	[sflag:s28] =	ssyncadd.s32 $0xFFFFF000  }
.Ltmp1:
0x8f: {  	s30 =	sor.u32 $0x1C05, s6;
	[bflag:$0x0] =	sbarrier.arrive $0xFFFF;
	(pc) =	sbr.rel @p0 .LBB2_1-.Ltmp1, $4  }
0x90: {  	[hbm:s24], [sflag:s30] =	dma.local [spmem:s13], $0x9E0  }
0x91: {  	_ =	swait.ge [sflag:s28], $0x9E0  }
0x92: {  	[sflag:s28] =	ssyncset.done $0x0  }
0x93: {  	[sflag:s28] =	ssyncadd.s32 $0xFFFFF620  }
0x94: {  	_ =	sfence.sel $0x180000  }
0x95: {  	[bflag:$0x0] =	sbarrier.arrive $0xFFFF  }
0x96: {  	_ =	strace $0x9000004D  }
0x97: {  	s0 =	stileid.u32;
	[bflag:$0x2] =	sbarrier.arrive $0xFFFF  }
0x98: {  	p0 =	sne.s32 s0, $0x0;
	s0 =	rddreg [dreg:$0x4]  }
0x99: {  	s0 =	sadd.s32 @!p0 $0x100000, s0  }
0x9a: {  	[sflag:s0] =	ssyncadd.tile.s32 @!p0 $0x1;
	_ =	shalt  }
.Lfunc_end2:
_tile_overlayer_lowered:
.L_overlay_start_2:
0x9b: {  	(tag) =	ssettag $0x2  }
0x9c: {  	s0 =	rddreg [dreg:$0x0];
	s2 =	stileid.u32  }
0x9d: {  	s1 =	rddreg [dreg:$0x1];
	p0 =	sne.s32 s2, $0x0  }
0x9e: {  	s3 =	rddreg [dreg:$0x2];
	[bflag:$0x3] =	sbarrier.arrive $0xFFFF;
	s2 =	simm.s32 @!p0 $0x1C05  }
0x9f: {  	[timem:s3], [sflag:s2] =	dma.local @!p0 [hbm:s0], s1  }
0xa0: {  	s0 =	simm.s32 @!p0 $0x5  }
0xa1: {  	_ =	swait.ge @!p0 [sflag:s0], s1  }
0xa2: {  	s1 =	ssub.s32 @!p0 $0x0, s1;
	[sflag:s0] =	ssyncset.done @!p0 $0x0  }
0xa3: {  	[sflag:s0] =	ssyncadd.s32 @!p0 s1  }
0xa4: {  	[bflag:$0x3] =	sbarrier.arrive $0xFFFF  }
0xa5: {  	_ =	shalt  }

// kernel: kernel.8.cloned.1.call-start
scs
__scs_entry_jumppad:
0x0: {  	(pc) =	sbr.rel $0x88, $3  }
0x1: {  	(tag) =	ssettag $0x0;
	lr =	simm.s32 $0x1  }
0x2: {  	[smem:$0x3F9B] =	sst lr;
	_ =	strace $0xD0000000  }
0x3: {  	_ = 	snop  }
0x4: {  	_ = 	snop  }
0x5: {  	_ = 	snop  }
0x6: {  	_ = 	snop  }
0x7: {  	_ = 	snop  }
__scs_overlays_trampoline_lowered:
0x8: {  	[smem:$0x3FAA] =	sst s0  }
0x9: {  	[smem:$0x3FAB] =	sst s1  }
0xa: {  	[smem:$0x3FAC] =	sst s2  }
0xb: {  	[smem:$0x3FAD] =	sst s3  }
0xc: {  	[smem:$0x3FAE] =	sst s4  }
0xd: {  	[smem:$0x3FAF] =	sst s5  }
0xe: {  	[smem:$0x3FB0] =	sst s6  }
0xf: {  	[smem:$0x3FB1] =	sst s7  }
0x10: {  	[smem:$0x3FB2] =	sst s8  }
0x11: {  	[smem:$0x3FB3] =	sst s9;
	s0 =	simm.s32 @!p0 $0x0  }
0x12: {  	s1 =	sld [smem:$0x3F99];
	s0 =	simm.s32 @p0 $0x1  }
0x13: {  	[smem:$0x3FB4] =	sst s0;
	s0 =	simm.s32 @!p1 $0x0  }
0x14: {  	s2 =	sld [smem:$0x3F98];
	s0 =	simm.s32 @p1 $0x1  }
0x15: {  	[smem:$0x3FB5] =	sst s0;
	s0 =	simm.s32 @!p2 $0x0  }
0x16: {  	s3 =	sld [smem:$0x3FDB];
	s0 =	simm.s32 @p2 $0x1  }
0x17: {  	s4 =	simm.s32 $0x1BF5;
	[smem:$0x3FB7] =	sst s0  }
0x18: {  	s0 =	sld [smem:$0x3F9A];
	_ =	swait.ge [sflag:s4], $0x0  }
0x19: {  	s7 =	sld [smem:$0x3F9B]  }
0x1a: {  	s8 =	sadd.s32 $0xFFFFE003, lr  }
0x1b: {  	s9 =	sadd.s32 $0xFFFFFEF7, lr;
	s5 =	simm.s32 $0xFFFFFFFF;
	p2 =	slt.u32 s8, $0xFFFFF086  }
0x1c: {  	p1 =	slt.u32 s9, $0xF7A;
	s5 =	simm.s32 @!p2 $0x0  }
0x1d: {  	s5 =	simm.s32 @p1 $0x1;
	p0 =	seq.s32 s7, s2  }
0x1e: {  	s7 =	smul.u32 @!p0 $0xF7A, s2;
	p2 =	seq.s32 @!p0 s5, $0x0  }
0x1f: {  	s9 =	smul.u32 $0xF7A, s1;
	s8 =	simm.s32 @!p0 $0x1BF5;
	p2 =	por !p2, p0  }
0x20: {  	[sflag:s8] =	ssyncset.s32 @!p0 $0xFFFFF086;
	s6 =	sadd.s32 @!p0 s3, s7;
	s7 =	simm.s32 @!p0 $0x108  }
0x21: {  	s3 =	sadd.s32 s3, s9;
	s6 =	sadd.s32 @!p0 $0x88, s6;
	s7 =	simm.s32 @p2 $0x1082  }
0x22: {  	[simem:s7], [sflag:s8] =	dma.local @!p0 [hbm:s6], $0xF7A  }
0x23: {  	s9 =	sor.u32 $0xD0000000, s2;
	s6 =	simm.s32 $0x108;
	_ =	swait.ge @!p0 [sflag:s8], $0x0  }
0x24: {  	s3 =	sadd.s32 $0x88, s3;
	s6 =	simm.s32 @!p1 $0x1082;
	[sflag:s4] =	ssyncset.s32 $0xFFFFF086  }
0x25: {  	[simem:s6], [sflag:s4] =	dma.local [hbm:s3], $0xF7A  }
0x26: {  	[smem:$0x3F9B] =	sst s1;
	(tag) =	ssettag s2;
	_ =	strace s9  }
0x27: {  	s1 =	sld [smem:$0x3FAB]  }
0x28: {  	s2 =	sld [smem:$0x3FAC]  }
0x29: {  	s4 =	sld [smem:$0x3FAE]  }
0x2a: {  	p0 =	seq.s32 s5, $0x0;
	s5 =	sld [smem:$0x3FAF]  }
0x2b: {  	s6 =	sld [smem:$0x3FB0]  }
0x2c: {  	s7 =	sld [smem:$0x3FB1]  }
0x2d: {  	s3 =	simm.s32 $0x108;
	s8 =	sld [smem:$0x3FB2]  }
0x2e: {  	s3 =	simm.s32 @!p0 $0x1082;
	s9 =	sld [smem:$0x3FB3]  }
0x2f: {  	lr =	sadd.s32 s0, s3;
	s0 =	sld [smem:$0x3FAA]  }
0x30: {  	s3 =	sld [smem:$0x3FAD]  }
0x31: {  	[smem:$0x3FB6] =	sst s10  }
0x32: {  	s10 =	sld [smem:$0x3FB4];
	_ =	sdelay $0x3  }
0x33: {  	p0 =	seq.s32 s10, $0x1;
	s10 =	sld [smem:$0x3FB6];
	_ =	sdelay $0x3  }
0x34: {  	[smem:$0x3FB6] =	sst s10  }
0x35: {  	s10 =	sld [smem:$0x3FB5];
	_ =	sdelay $0x3  }
0x36: {  	p1 =	seq.s32 s10, $0x1;
	s10 =	sld [smem:$0x3FB6];
	_ =	sdelay $0x3  }
0x37: {  	[smem:$0x3FB6] =	sst s10  }
0x38: {  	s10 =	sld [smem:$0x3FB7]  }
0x39: {  	_ = 	snop;
	(pc) =	sbr.ind lr, $3  }
0x3a: {  	_ = 	snop  }
0x3b: {  	_ = 	snop  }
0x3c: {  	p2 =	seq.s32 s10, $0x1;
	s10 =	sld [smem:$0x3FB6]  }
0x3d: {  	_ =	shalt  }
0x3e: {  	_ =	shalt  }
0x3f: {  	_ =	shalt  }
0x40: {  	_ =	shalt  }
0x41: {  	_ =	shalt  }
0x42: {  	_ =	shalt  }
0x43: {  	_ =	shalt  }
0x44: {  	_ =	shalt  }
0x45: {  	_ =	shalt  }
0x46: {  	_ =	shalt  }
0x47: {  	_ =	shalt  }
0x48: {  	_ =	shalt  }
0x49: {  	_ =	shalt  }
0x4a: {  	_ =	shalt  }
0x4b: {  	_ =	shalt  }
0x4c: {  	_ =	shalt  }
0x4d: {  	_ =	shalt  }
0x4e: {  	_ =	shalt  }
0x4f: {  	_ =	shalt  }
0x50: {  	_ =	shalt  }
0x51: {  	_ =	shalt  }
0x52: {  	_ =	shalt  }
0x53: {  	_ =	shalt  }
0x54: {  	_ =	shalt  }
0x55: {  	_ =	shalt  }
0x56: {  	_ =	shalt  }
0x57: {  	_ =	shalt  }
0x58: {  	_ =	shalt  }
0x59: {  	_ =	shalt  }
0x5a: {  	_ =	shalt  }
0x5b: {  	_ =	shalt  }
0x5c: {  	_ =	shalt  }
0x5d: {  	_ =	shalt  }
0x5e: {  	_ =	shalt  }
0x5f: {  	_ =	shalt  }
0x60: {  	_ =	shalt  }
0x61: {  	_ =	shalt  }
0x62: {  	_ =	shalt  }
0x63: {  	_ =	shalt  }
0x64: {  	_ =	shalt  }
0x65: {  	_ =	shalt  }
0x66: {  	_ =	shalt  }
0x67: {  	_ =	shalt  }
0x68: {  	_ =	shalt  }
0x69: {  	_ =	shalt  }
0x6a: {  	_ =	shalt  }
0x6b: {  	_ =	shalt  }
0x6c: {  	_ =	shalt  }
0x6d: {  	_ =	shalt  }
0x6e: {  	_ =	shalt  }
0x6f: {  	_ =	shalt  }
0x70: {  	_ =	shalt  }
0x71: {  	_ =	shalt  }
0x72: {  	_ =	shalt  }
0x73: {  	_ =	shalt  }
0x74: {  	_ =	shalt  }
0x75: {  	_ =	shalt  }
0x76: {  	_ =	shalt  }
0x77: {  	_ =	shalt  }
0x78: {  	_ =	shalt  }
0x79: {  	_ =	shalt  }
0x7a: {  	_ =	shalt  }
0x7b: {  	_ =	shalt  }
0x7c: {  	_ =	shalt  }
0x7d: {  	_ =	shalt  }
0x7e: {  	_ =	shalt  }
0x7f: {  	_ =	shalt  }
0x80: {  	_ =	shalt  }
0x81: {  	_ =	shalt  }
0x82: {  	_ =	shalt  }
0x83: {  	_ =	shalt  }
0x84: {  	_ =	shalt  }
0x85: {  	_ =	shalt  }
0x86: {  	_ =	shalt  }
0x87: {  	_ =	shalt  }
.Lfunc_end0:
.L_simem_size_0:
called_computation_lowered:
.L_overlay_start_0:
0x88: {  	s2 =	sld [smem:$0x3FD9]  }
0x89: {  	s3 =	sld [smem:$0x3FFE];
	_ =	sdelay $0x1  }
0x8a: {  	s1 =	srdreg.scid  }
0x8b: {  	s0 =	sand.u32 $0x1, s1  }
0x8c: {  	s17 =	sshll.u32 s0, $0xA;
	s2 =	sadd.s32 s3, s2  }
0x8d: {  	s2 =	sadd.s32 s2, s17  }
0x8e: {  	[smem:$0x3FC2] =	sst s2  }
0x8f: {  	_ = 	snop  }
0x90: {  	s2 =	sld [smem:$0x3FD0];
	(tm) =	ssettm $0x1  }
0x91: {  	s18 =	sld [smem:$0x3FFB];
	_ =	sdelay $0x3  }
0x92: {  	_ =	strace s18  }
0x93: {  	s3 =	sld [smem:$0x3FFC];
	_ =	sdelay $0x3  }
0x94: {  	_ =	strace s3  }
0x95: {  	s3 =	sld [smem:$0x3FFD];
	_ =	sdelay $0x3  }
0x96: {  	_ =	strace s3  }
0x97: {  	_ =	strace $0x8FFFFFFF  }
0x98: {  	s19 =	sld [smem:$0x3FDB];
	_ =	sdelay $0x1  }
0x99: {  	s4 =	simm.s32 $_scs_section_size  }
0x9a: {  	s5 =	simm.s32 $_size__tile_overlayer_lowered;
	s6 =	simm.s32 $_tile_overlayer_lowered  }
0x9b: {  	s22 =	simm.s32 $0x1BFF;
	s21 =	sshll.u32 s6, $0x1;
	s3 =	sadd.s32 s4, s19  }
0x9c: {  	s7 =	simm.s32 $0x0;
	s20 =	sshll.u32 s5, $0x1;
	s5 =	sadd.s32 s21, s3  }
0x9d: {  	[timem:s7], [sflag:s22] =	dma.local [hbm:s5], s20  }
0x9e: {  	_ =	swait.ge [sflag:s22], s20  }
0x9f: {  	s4 =	ssub.s32 $0x0, s20;
	[sflag:s22] =	ssyncset.done $0x0  }
0xa0: {  	[sflag:s22] =	ssyncadd.s32 s4;
	_ =	sdelay $0x1  }
0xa1: {  	s23 =	simm.s32 $0x1B8B  }
0xa2: {  	_ =	swait.ge [sflag:s23], $0x1  }
0xa3: {  	[sflag:s23] =	ssyncset.done $0x0  }
0xa4: {  	s25 =	simm.s32 $0x1B8E;
	s24 =	sld [smem:$0x3FFE];
	[sflag:s23] =	ssyncadd.s32 $0xFFFFFFFF  }
0xa5: {  	s26 =	simm.s32 $execute0_lowered;
	[smem:$0x3FD2] =	sst s25  }
0xa6: {  	s5 =	sshll.u32 s26, $0x1;
	_ =	strace $0x80000046;
	[dreg:$0x1] =	wrdreg $0xFFFFFFFF  }
0xa7: {  	s28 =	simm.s32 $_size_execute0_lowered;
	s3 =	sadd.s32 s3, s5;
	[dreg:$0x0] =	wrdreg $0x0  }
0xa8: {  	s5 =	sshll.u32 s28, $0x1;
	[dreg:$0x2] =	wrdreg s3  }
0xa9: {  	[dreg:$0x3] =	wrdreg s5  }
0xaa: {  	[dreg:$0x4] =	wrdreg $0xC0  }
0xab: {  	_ =	task [dreg:s7], $0x5FFFF  }
0xac: {  	[dreg:$0x1] =	wrdreg $0xFFFFFFFF  }
0xad: {  	[dreg:$0x0] =	wrdreg $0x60  }
0xae: {  	[dreg:$0x2] =	wrdreg s24  }
0xaf: {  	[dreg:$0x3] =	wrdreg s2  }
0xb0: {  	[dreg:$0x4] =	wrdreg $0x0  }
0xb1: {  	[dreg:$0x5] =	wrdreg $0x9  }
0xb2: {  	_ =	task.clear_ibuf [dreg:s7], $0x6FFFF;
	_ =	strace $0x90000046  }
0xb3: {  	s29 =	simm.s32 $0x9;
	_ =	strace $0x80000048  }
0xb4: {  	_ =	swait.ge [sflag:s29], $0x1  }
0xb5: {  	[sflag:s29] =	ssyncadd.s32 $0xFFFFFFFF  }
0xb6: {  	_ =	strace $0x90000048  }
0xb7: {  	_ =	sfence  }
0xb8: {  	s30 =	sld [smem:$0x0];
	_ =	sdelay $0x2  }
0xb9: {  	s31 =	sshll.u32 s1, $0xD;
	s1 =	sshrl.u32 s1, $0x2  }
0xba: {  	s3 =	sand.u32 $0x4000, s31;
	s1 =	sadd.s32 s1, s30  }
0xbb: {  	s0 =	sor.u32 s3, s0;
	s1 =	sshll.u32 s1, $0x11  }
0xbc: {  	s0 =	sor.u32 s1, s0  }
0xbd: {  	s0 =	sadd.s32 $0x8F2B, s0  }
0xbe: {  	[sflag:s0] =	ssyncadd.remote.s32 $0x1  }
0xbf: {  	_ =	sfence.sel $0xFFFF  }
0xc0: {  	[dreg:$0x0] =	wrdreg $0xFFFFFFFF;
	(pc) =	sbr.abs _section_cstart, $3  }
0xc1: {  	[dreg:$0x1] =	wrdreg $0xFFFFFFFF  }
0xc2: {  	_ =	task.clear_ibuf [dreg:s7], $0x2FFFF;
	_ =	strace $0x9FFFFFFF  }
0xc3: {  	(tm) =	ssettm $0x7FFFFFFF  }
tec
execute0_lowered:
.L_overlay_start_1:
0x0: {  	(tag) =	ssettag $0x1  }
0x1: {  	s5 =	rddreg [dreg:$0x0]  }
0x2: {  	s8 =	rddreg [dreg:$0x1]  }
0x3: {  	s0 =	srdreg.scid;
	s2 =	rddreg [dreg:$0x2]  }
0x4: {  	s1 =	stileid.u32;
	s3 =	simm.s32 $0x0;
	s13 =	simm.s32 $0x2  }
0x5: {  	s14 =	simm.s32 $0x80;
	s15 =	simm.s32 $0x2800;
	s16 =	simm.s32 $0x4E80  }
0x6: {  	s20 =	simm.s32 $0x0;
	s6 =	sand.u32 $0x1, s0;
	s0 =	rddreg [dreg:$0x3]  }
0x7: {  	[smem:$0x7FF] =	sst s3;
	s11 =	smul.u32 $0x2780, s1;
	s18 =	sshll.u32 s1, $0x6  }
0x8: {  	s4 =	sshll.u32 s6, $0x4;
	_ =	strace $0x80000047;
	s9 =	ssub.s32 $0x2, s6  }
0x9: {  	s31 =	smul.u32 $0x4F00, s6;
	s6 =	sor.u32 $0x1C01, s18;
	s18 =	sor.u32 $0x1C03, s18  }
0xa: {  	s4 =	sor.u32 s1, s4;
	s10 =	sshrl.u32 s9, $0x1;
	s12 =	sadd.s32 s11, s2  }
0xb: {  	s19 =	sshrl.u32 s11, $0x3;
	s11 =	simm.s32 $0x2780;
	s4 =	smul.u32 $0x4F0, s4  }
0xc: {  	s9 =	ssub.s32 s9, s10;
	s17 =	sadd.s32 s8, s31;
	s10 =	simm.s32 $0x4F00  }
0xd: {  	s8 =	smax.u32 s9, $0x1;
	s9 =	sshrl.u32 s12, $0x3;
	s12 =	simm.s32 $0x1  }
0xe: {  	s17 =	sadd.s32 s19, s17;
	s19 =	simm.s32 $0x3;
	s7 =	sadd.s32 s4, s5  }
0xf: {  	s4 =	sadd.s32 $0xC800, s5;
	s5 =	sadd.s32 $0xC200, s5;
	s7 =	sadd.s32 $0x2400, s7  }
.LBB2_1:
0x10: {  	[spmem:s9], [sflag:s6] =	dma.local [hbm:s5], $0x4F0  }
0x11: {  	[tilespmem:s10], [sflag:$0x2] =	stream.linear.gather [hbm4b:s4+s3], $0x800, $0x38;
	[tilespmem:$0x5700] =	vst v63  }
0x12: {  	_ = 	snop  }
0x13: {  	[tilespmem:s11], [sflag:$0x1] =	stream.linear.gather [hbm4b:s7+s3], $0x2780, $0x38;
	[tilespmem:$0x5700] =	vst v63  }
0x14: {  	_ =	swait.ge [sflag:s12], $0x4F0  }
0x15: {  	[sflag:s12] =	ssyncset.done $0x0  }
0x16: {  	[sflag:s12] =	ssyncadd.s32 $0xFFFFFB10  }
0x17: {  	_ =	swait.ge [sflag:s13], $0x800  }
0x18: {  	[sflag:s13] =	ssyncset.done $0x0  }
0x19: {  	[sflag:s13] =	ssyncadd.s32 $0xFFFFF800  }
0x1a: {  	_ =	swait.ge [sflag:s12], $0x2780  }
0x1b: {  	[sflag:s12] =	ssyncset.done $0x0  }
0x1c: {  	[sflag:s12] =	ssyncadd.s32 $0xFFFFD880  }
0x1d: {  	[bflag:$0x0] =	sbarrier.arrive $0xFFFF  }
0x1e: {  	[spmem:s2] =	stream.indirect.scatter.add.f32 [tilespmem:s10], [sflag:$0x1], $0x10, s11, s14, $0xb8;
	[tilespmem:$0x5700] =	vst v63  }
0x1f: {  	_ = 	snop  }
0x20: {  	[spmem:s2] =	stream.indirect.scatter.add.f32 [tilespmem:s10], [sflag:$0x2], $0x10, s15, s14, $0xb8;
	[tilespmem:$0x5700] =	vst v63  }
0x21: {  	_ =	swait.ge [sflag:s12], $0x800  }
0x22: {  	[sflag:s12] =	ssyncset.done $0x0  }
0x23: {  	s21 =	simm.s32 $0x2880;
	[sflag:s12] =	ssyncadd.s32 $0xFFFFF800  }
0x24: {  	[spmem:s2] =	stream.indirect.scatter.add.f32 [tilespmem:s10], [sflag:$0x1], $0x10, s21, s14, $0xb8;
	[tilespmem:$0x5700] =	vst v63  }
0x25: {  	_ =	swait.ge [sflag:s13], $0x800  }
0x26: {  	[sflag:s13] =	ssyncset.done $0x0  }
0x27: {  	s22 =	simm.s32 $0x2900;
	s21 =	simm.s32 $0xFFFF6C00;
	[sflag:s13] =	ssyncadd.s32 $0xFFFFF800  }
.LBB2_2:
0x28: {  	[spmem:s2] =	stream.indirect.scatter.add.f32 [tilespmem:s10], [sflag:$0x2], $0x10, s22, s14, $0xb8;
	[tilespmem:$0x5700] =	vst v63  }
0x29: {  	s22 =	smov.u32 s21  }
0x2a: {  	p0 =	sne.s32 s21, $0xFFFFFC00;
	s21 =	sadd.s32 $0x400, s21;
	_ =	swait.ge [sflag:s12], $0x800  }
0x2b: {  	s22 =	sshra.s32 s22, $0x2;
	[sflag:s12] =	ssyncset.done $0x0  }
.Ltmp0:
0x2c: {  	s23 =	sadd.s32 $0x4E80, s22;
	[sflag:s12] =	ssyncadd.s32 $0xFFFFF800;
	(pc) =	sbr.rel @p0 .LBB2_2-.Ltmp0, $4  }
0x2d: {  	[spmem:s2] =	stream.indirect.scatter.add.f32 [tilespmem:s10], [sflag:$0x1], $0x10, s23, s14, $0xb8;
	[tilespmem:$0x5700] =	vst v63  }
0x2e: {  	_ =	swait.ge [sflag:s13], $0x800  }
0x2f: {  	[sflag:s13] =	ssyncset.done $0x0  }
0x30: {  	s22 =	sadd.s32 $0x4F00, s22;
	[sflag:s13] =	ssyncadd.s32 $0xFFFFF800  }
0x31: {  	[spmem:s2] =	stream.indirect.scatter.add.f32 [tilespmem:s10], [sflag:$0x2], $0x10, s22, s14, $0xb8;
	[tilespmem:$0x5700] =	vst v63  }
0x32: {  	_ =	swait.ge [sflag:s12], $0x800  }
0x33: {  	[sflag:s12] =	ssyncset.done $0x0  }
0x34: {  	[sflag:s12] =	ssyncadd.s32 $0xFFFFF800  }
0x35: {  	[spmem:s2] =	stream.indirect.scatter.add.f32 [tilespmem:s10], [sflag:$0x1], $0x10, s16, s14, $0xb8;
	[tilespmem:$0x5700] =	vst v63  }
0x36: {  	_ =	swait.ge [sflag:s13], $0x800  }
0x37: {  	[sflag:s13] =	ssyncset.done $0x0  }
0x38: {  	[sflag:s13] =	ssyncadd.s32 $0xFFFFF800  }
0x39: {  	_ =	swait.ge [sflag:s12], $0x800  }
0x3a: {  	s20 =	sadd.s32 $0x1, s20;
	[sflag:s12] =	ssyncset.done $0x0  }
0x3b: {  	p0 =	sne.s32 s20, s8;
	[sflag:s12] =	ssyncadd.s32 $0xFFFFF800  }
.Ltmp1:
0x3c: {  	[bflag:$0x0] =	sbarrier.arrive $0xFFFF;
	(pc) =	sbr.rel @p0 .LBB2_1-.Ltmp1, $4  }
0x3d: {  	[hbm:s17], [sflag:s18] =	dma.local [spmem:s9], $0x4F0  }
0x3e: {  	_ =	swait.ge [sflag:s19], $0x4F0  }
0x3f: {  	[sflag:s19] =	ssyncset.done $0x0  }
0x40: {  	[sflag:s19] =	ssyncadd.s32 $0xFFFFFB10  }
0x41: {  	_ =	sfence.sel $0x180000  }
0x42: {  	[bflag:$0x0] =	sbarrier.arrive $0xFFFF  }
0x43: {  	p0 =	sne.s32 s1, $0x0;
	_ =	strace $0x90000047  }
0x44: {  	s0 =	sadd.s32 @!p0 $0x100000, s0;
	[bflag:$0x2] =	sbarrier.arrive $0xFFFF  }
0x45: {  	[sflag:s0] =	ssyncadd.tile.s32 @!p0 $0x1;
	_ =	shalt  }
.Lfunc_end2:
_tile_overlayer_lowered:
.L_overlay_start_2:
0x46: {  	(tag) =	ssettag $0x2  }
0x47: {  	s0 =	rddreg [dreg:$0x0];
	s2 =	stileid.u32  }
0x48: {  	s1 =	rddreg [dreg:$0x1];
	p0 =	sne.s32 s2, $0x0  }
0x49: {  	s3 =	rddreg [dreg:$0x2];
	[bflag:$0x3] =	sbarrier.arrive $0xFFFF;
	s2 =	simm.s32 @!p0 $0x1C03  }
0x4a: {  	[timem:s3], [sflag:s2] =	dma.local @!p0 [hbm:s0], s1  }
0x4b: {  	s0 =	simm.s32 @!p0 $0x3  }
0x4c: {  	_ =	swait.ge @!p0 [sflag:s0], s1  }
0x4d: {  	s1 =	ssub.s32 @!p0 $0x0, s1;
	[sflag:s0] =	ssyncset.done @!p0 $0x0  }
0x4e: {  	[sflag:s0] =	ssyncadd.s32 @!p0 s1  }
0x4f: {  	[bflag:$0x3] =	sbarrier.arrive $0xFFFF  }
0x50: {  	_ =	shalt  }

</sc_bundles>
